<compile_context>
chip_gen: v7x
topology: tpu7x:2x2x1
jax: 0.10.2.dev20260603
libtpu: 0.0.44.dev20260713+nightly
codegen_flags: <defaults>
</compile_context>

<pallas_src>
import functools
import jax
import jax.numpy as jnp
from jax import lax
from jax.experimental import pallas as pl
from jax.experimental.pallas import tpu as pltpu
from jax.experimental.pallas import tpu_sc as plsc

_TBL = 3969
_TBLP = 4096
_OFF = 1984


def _rpe_sc_kernel(wt_hbm, out_hbm, col_v, w_v, buf_v, sem0, sem1):
    core = lax.axis_index("c")
    sub = lax.axis_index("s")
    h = sub
    half = core
    sems = (sem0, sem1)

    pltpu.sync_copy(wt_hbm.at[h], col_v)

    def revchunk(t, carry):
        w_v[pl.ds(16 * t, 16)] = lax.rev(col_v[pl.ds(3953 - 16 * t, 16)], (0,))
        return carry

    lax.fori_loop(0, 248, revchunk, 0)
    w_v[pl.ds(3953, 16)] = lax.rev(col_v[pl.ds(0, 16)], (0,))

    def fill(g, b):
        ri = 16 * half + g
        base_ri = _OFF - 63 * ri

        @plsc.parallel_loop(0, 256, 1, unroll=2)
        def piece(t):
            ci = t >> 3
            c8 = t & 7
            base_t = base_ri - ci + 252 * c8
            for cc in range(8):
                off = 63 * (cc >> 1) + 16 * (cc & 1)
                buf_v[b, ci, pl.ds(128 * c8 + 16 * cc, 16)] = w_v[
                    pl.ds(base_t + off, 16)
                ]

        return ri

    for b in range(2):
        ri = fill(b, b)
        pltpu.async_copy(buf_v.at[b], out_hbm.at[h, pl.ds(ri * 32, 32)], sems[b])

    def body(g2, carry):
        g = 2 * g2
        for b in range(2):
            pltpu.make_async_copy(
                buf_v.at[b], out_hbm.at[h, pl.ds(0, 32)], sems[b]
            ).wait()
            ri = fill(g + b, b)
            pltpu.async_copy(buf_v.at[b], out_hbm.at[h, pl.ds(ri * 32, 32)], sems[b])
        return carry

    lax.fori_loop(1, 8, body, 0)

    for b in range(2):
        pltpu.make_async_copy(
            buf_v.at[b], out_hbm.at[h, pl.ds(0, 32)], sems[b]
        ).wait()


@jax.jit
def kernel(rpe_bias):
    wt = jnp.pad(rpe_bias.T, ((0, 0), (0, _TBLP - _TBL)))
    mesh = plsc.VectorSubcoreMesh(core_axis_name="c", subcore_axis_name="s")
    run = functools.partial(
        pl.kernel,
        mesh=mesh,
        out_type=jax.ShapeDtypeStruct((16, 1024, 1024), jnp.float32),
        scratch_types=[
            pltpu.VMEM((_TBLP,), jnp.float32),
            pltpu.VMEM((_TBLP,), jnp.float32),
            pltpu.VMEM((2, 32, 1024), jnp.float32),
            pltpu.SemaphoreType.DMA,
            pltpu.SemaphoreType.DMA,
        ],
    )(_rpe_sc_kernel)
    return run(wt)

# --- scband reference (transcript-rebuilt; emitter-appended) ---
"""Pipeline reference for scband-relative-positional-embedding-47622597378333 (READ-ONLY COPY).

The authoritative reference and input builder live on the scoring server;
editing this copy changes nothing except your own understanding.
"""

import jax, jax.numpy as jnp
import numpy as np

HEADS = 16
WS = (32, 32)


def setup_inputs(seed: int = 0) -> dict:
    key = jax.random.key(seed)
    table_shape = ((2 * WS[0] - 1) * (2 * WS[1] - 1), HEADS)
    rpe_bias = jax.random.truncated_normal(key, -2.0, 2.0, table_shape, jnp.float32) * 0.02
    return {"rpe_bias": rpe_bias}


def reference(rpe_bias):
    window_size = WS
    coords_h = jnp.arange(window_size[0])
    coords_w = jnp.arange(window_size[1])
    coords = jnp.stack(jnp.meshgrid(coords_h, coords_w, indexing='ij'))
    coords_flatten = coords.reshape([coords.shape[0], -1])
    relative_coords = coords_flatten[:, :, None] - coords_flatten[:, None, :]
    relative_coords = relative_coords.transpose([1, 2, 0])
    R = relative_coords[:, :, 0]
    R = R + window_size[0] - 1
    R = (2 * window_size[1] - 1) * R
    C = relative_coords[:, :, 1]
    C = C + window_size[1] - 1
    relative_position_index = R + C
    rpe = rpe_bias[relative_position_index.reshape(-1)]
    rpe = rpe.reshape([window_size[0] * window_size[1], window_size[0] * window_size[1], -1])
    rpe = rpe.transpose([2, 0, 1])
    return rpe

if __name__ == "__main__":
    import jax
    _d = setup_inputs()
    print(jax.jit(kernel)(*tuple(_d.values())))

</pallas_src>

<mosaic_0001>
#map = affine_map<(d0, d1) -> (0, 0)>
#map1 = affine_map<(d0, d1) -> (0, 0, 0)>
module attributes {stable_mosaic.version = 14 : i64} {
  func.func @_rpe_sc_kernel(%arg0: i32, %arg1: i32, %arg2: memref<16x4096xf32, #tpu.memory_space<hbm>>, %arg3: memref<16x1024x1024xf32, #tpu.memory_space<hbm>>, %arg4: memref<4096xf32, #tpu.memory_space<vmem>>, %arg5: memref<4096xf32, #tpu.memory_space<vmem>>, %arg6: memref<2x32x1024xf32, #tpu.memory_space<vmem>>, %arg7: memref<!tpu.dma_semaphore, #tpu.memory_space<semaphore_mem>>, %arg8: memref<!tpu.dma_semaphore, #tpu.memory_space<semaphore_mem>>) attributes {dimension_semantics = [#tpu.dimension_semantics<core_parallel>, #tpu.dimension_semantics<subcore_parallel>], iteration_bounds = array<i64: 2, 16>, scalar_prefetch = 0 : i64, scratch_operands = 5 : i64, tpu.core_type = #tpu.core_type<sc_vector_subcore>, window_params = [{transform_indices = #map}, {transform_indices = #map1}]} {
    "tpu.region"() ({
      %run_scoped3A = tpu.sem_alloc : memref<!tpu.dma_semaphore, #tpu.memory_space<semaphore_mem>>
      %dma_start3A_104 = arith.constant 0 : i32
      %dma_start3A_105 = tpu.memref_slice %arg2[%arg1, %dma_start3A_104] : memref<16x4096xf32, #tpu.memory_space<hbm>> -> memref<1x4096xf32, #tpu.memory_space<hbm>>
      %dma_start3A_106 = tpu.memref_squeeze %dma_start3A_105 : memref<1x4096xf32, #tpu.memory_space<hbm>> -> memref<4096xf32, #tpu.memory_space<hbm>>
      %dma_start3A_107 = arith.constant 0 : i32
      %dma_start3A_108 = tpu.memref_slice %arg2[%arg1, %dma_start3A_107] : memref<16x4096xf32, #tpu.memory_space<hbm>> -> memref<1x4096xf32, #tpu.memory_space<hbm>>
      %dma_start3A_109 = tpu.memref_squeeze %dma_start3A_108 : memref<1x4096xf32, #tpu.memory_space<hbm>> -> memref<4096xf32, #tpu.memory_space<hbm>>
      tpu.enqueue_dma source(%dma_start3A_109 : memref<4096xf32, #tpu.memory_space<hbm>>) target(%arg4 : memref<4096xf32, #tpu.memory_space<vmem>>) target_semaphore(%run_scoped3A : memref<!tpu.dma_semaphore, #tpu.memory_space<semaphore_mem>>)
      %dma_wait3A_110 = arith.constant 0 : i32
      %dma_wait3A_111 = tpu.memref_slice %arg2[%arg1, %dma_wait3A_110] : memref<16x4096xf32, #tpu.memory_space<hbm>> -> memref<1x4096xf32, #tpu.memory_space<hbm>>
      %dma_wait3A_112 = tpu.memref_squeeze %dma_wait3A_111 : memref<1x4096xf32, #tpu.memory_space<hbm>> -> memref<4096xf32, #tpu.memory_space<hbm>>
      %dma_wait3A_113 = arith.constant 0 : i32
      %dma_wait3A_114 = tpu.memref_slice %arg2[%arg1, %dma_wait3A_113] : memref<16x4096xf32, #tpu.memory_space<hbm>> -> memref<1x4096xf32, #tpu.memory_space<hbm>>
      %dma_wait3A_115 = tpu.memref_squeeze %dma_wait3A_114 : memref<1x4096xf32, #tpu.memory_space<hbm>> -> memref<4096xf32, #tpu.memory_space<hbm>>
      tpu.wait_dma2 semaphore(%run_scoped3A : memref<!tpu.dma_semaphore, #tpu.memory_space<semaphore_mem>>) src(%dma_wait3A_115 : memref<4096xf32, #tpu.memory_space<hbm>>) dst(%arg4 : memref<4096xf32, #tpu.memory_space<vmem>>)
      tpu.yield
    }) : () -> ()
    %scan3A = arith.constant 0 : i32
    %scan3A_0 = arith.constant 0 : i32
    %scan3A_1 = arith.constant 248 : i32
    %scan3A_2 = arith.addi %scan3A_0, %scan3A_1 : i32
    %scan3A_3 = arith.constant 1 : i32
    scf.for %scan3A_104 = %scan3A_0 to %scan3A_2 step %scan3A_3  : i32 {
      %mul3A_105 = arith.constant 16 : i32
      %mul3A_106 = arith.muli %mul3A_105, %scan3A_104 : i32
      %sub3A_107 = arith.constant 3953 : i32
      %sub3A_108 = arith.subi %sub3A_107, %mul3A_106 : i32
      %get3A_109 = arith.index_cast %sub3A_108 : i32 to index
      %get3A_110 = tpu.vector_load %arg4[%get3A_109] {strides = array<i32>} : memref<4096xf32, #tpu.memory_space<vmem>>, vector<16xf32>,
      %get3A_111 = vector.shape_cast %get3A_110 : vector<16xf32> to vector<16xf32>
      %rev3A_112 = arith.constant 15 : i32
      %rev3A_113 = vector.broadcast %rev3A_112 : i32 to vector<16xi32>
      %rev3A_114 = tpu.iota {dimensions = array<i32: 0>} : vector<16xi32>
      %rev3A_115 = arith.subi %rev3A_113, %rev3A_114 : vector<16xi32>
      %rev3A_116 = tpu.dynamic_gather %get3A_111[%rev3A_115] in [0] : vector<16xf32>, vector<16xi32> -> vector<16xf32>
      %mul3A_117 = arith.constant 16 : i32
      %mul3A_118 = arith.muli %mul3A_117, %scan3A_104 : i32
      %swap3A_119 = arith.index_cast %mul3A_118 : i32 to index
      %swap3A_120 = tpu.vector_load %arg5[%swap3A_119] {strides = array<i32>} : memref<4096xf32, #tpu.memory_space<vmem>>, vector<16xf32>,
      %swap3A_121 = vector.shape_cast %swap3A_120 : vector<16xf32> to vector<16xf32>
      %swap3A_122 = vector.shape_cast %rev3A_116 : vector<16xf32> to vector<16xf32>
      tpu.vector_store %arg5[%swap3A_119], %swap3A_122 {strides = array<i32>} : memref<4096xf32, #tpu.memory_space<vmem>>, vector<16xf32>,
    }
    %scan3A_4 = arith.constant 248 : i32
    %get3A = arith.constant 0 : index
    %get3A_5 = tpu.vector_load %arg4[%get3A] {strides = array<i32>} : memref<4096xf32, #tpu.memory_space<vmem>>, vector<16xf32>,
    %get3A_6 = vector.shape_cast %get3A_5 : vector<16xf32> to vector<16xf32>
    %rev3A = arith.constant 15 : i32
    %rev3A_7 = vector.broadcast %rev3A : i32 to vector<16xi32>
    %rev3A_8 = tpu.iota {dimensions = array<i32: 0>} : vector<16xi32>
    %rev3A_9 = arith.subi %rev3A_7, %rev3A_8 : vector<16xi32>
    %rev3A_10 = tpu.dynamic_gather %get3A_6[%rev3A_9] in [0] : vector<16xf32>, vector<16xi32> -> vector<16xf32>
    %swap3A = arith.constant 3953 : index
    %swap3A_11 = tpu.vector_load %arg5[%swap3A] {strides = array<i32>} : memref<4096xf32, #tpu.memory_space<vmem>>, vector<16xf32>,
    %swap3A_12 = vector.shape_cast %swap3A_11 : vector<16xf32> to vector<16xf32>
    %swap3A_13 = vector.shape_cast %rev3A_10 : vector<16xf32> to vector<16xf32>
    tpu.vector_store %arg5[%swap3A], %swap3A_13 {strides = array<i32>} : memref<4096xf32, #tpu.memory_space<vmem>>, vector<16xf32>,
    %mul3A = arith.constant 16 : i32
    %mul3A_14 = arith.muli %mul3A, %arg0 : i32
    %add3A = arith.constant 0 : i32
    %add3A_15 = arith.addi %mul3A_14, %add3A : i32
    %mul3A_16 = arith.constant 63 : i32
    %mul3A_17 = arith.muli %mul3A_16, %add3A_15 : i32
    %sub3A = arith.constant 1984 : i32
    %sub3A_18 = arith.subi %sub3A, %mul3A_17 : i32
    %parallel_loop3A = arith.constant 0 : i32
    %parallel_loop3A_19 = arith.constant 256 : i32
    %parallel_loop3A_20 = arith.constant 1 : i32
    scf.for %parallel_loop3A_104 = %parallel_loop3A to %parallel_loop3A_19 step %parallel_loop3A_20  : i32 {
      %parallel_loop3A_105 = arith.constant 3 : i32
      %parallel_loop3A_106 = arith.shrsi %parallel_loop3A_104, %parallel_loop3A_105 : i32
      %parallel_loop3A_107 = arith.constant 7 : i32
      %parallel_loop3A_108 = arith.andi %parallel_loop3A_104, %parallel_loop3A_107 : i32
      %parallel_loop3A_109 = arith.subi %sub3A_18, %parallel_loop3A_106 : i32
      %parallel_loop3A_110 = arith.constant 252 : i32
      %parallel_loop3A_111 = arith.muli %parallel_loop3A_110, %parallel_loop3A_108 : i32
      %parallel_loop3A_112 = arith.addi %parallel_loop3A_109, %parallel_loop3A_111 : i32
      %parallel_loop3A_113 = arith.constant 0 : i32
      %parallel_loop3A_114 = arith.addi %parallel_loop3A_112, %parallel_loop3A_113 : i32
      %parallel_loop3A_115 = arith.index_cast %parallel_loop3A_114 : i32 to index
      %parallel_loop3A_116 = tpu.vector_load %arg5[%parallel_loop3A_115] {strides = array<i32>} : memref<4096xf32, #tpu.memory_space<vmem>>, vector<16xf32>,
      %parallel_loop3A_117 = vector.shape_cast %parallel_loop3A_116 : vector<16xf32> to vector<16xf32>
      %parallel_loop3A_118 = arith.constant 128 : i32
      %parallel_loop3A_119 = arith.muli %parallel_loop3A_118, %parallel_loop3A_108 : i32
      %parallel_loop3A_120 = arith.constant 0 : i32
      %parallel_loop3A_121 = arith.addi %parallel_loop3A_119, %parallel_loop3A_120 : i32
      %parallel_loop3A_122 = arith.constant 0 : i32
      %parallel_loop3A_123 = arith.index_cast %parallel_loop3A_122 : i32 to index
      %parallel_loop3A_124 = arith.index_cast %parallel_loop3A_106 : i32 to index
      %parallel_loop3A_125 = arith.index_cast %parallel_loop3A_121 : i32 to index
      %parallel_loop3A_126 = tpu.vector_load %arg6[%parallel_loop3A_123, %parallel_loop3A_124, %parallel_loop3A_125] {strides = array<i32>} : memref<2x32x1024xf32, #tpu.memory_space<vmem>>, vector<1x1x16xf32>,
      %parallel_loop3A_127 = vector.shape_cast %parallel_loop3A_126 : vector<1x1x16xf32> to vector<16xf32>
      %parallel_loop3A_128 = vector.shape_cast %parallel_loop3A_117 : vector<16xf32> to vector<1x1x16xf32>
      tpu.vector_store %arg6[%parallel_loop3A_123, %parallel_loop3A_124, %parallel_loop3A_125], %parallel_loop3A_128 {strides = array<i32>} : memref<2x32x1024xf32, #tpu.memory_space<vmem>>, vector<1x1x16xf32>,
      %parallel_loop3A_129 = arith.constant 16 : i32
      %parallel_loop3A_130 = arith.addi %parallel_loop3A_112, %parallel_loop3A_129 : i32
      %parallel_loop3A_131 = arith.index_cast %parallel_loop3A_130 : i32 to index
      %parallel_loop3A_132 = tpu.vector_load %arg5[%parallel_loop3A_131] {strides = array<i32>} : memref<4096xf32, #tpu.memory_space<vmem>>, vector<16xf32>,
      %parallel_loop3A_133 = vector.shape_cast %parallel_loop3A_132 : vector<16xf32> to vector<16xf32>
      %parallel_loop3A_134 = arith.constant 128 : i32
      %parallel_loop3A_135 = arith.muli %parallel_loop3A_134, %parallel_loop3A_108 : i32
      %parallel_loop3A_136 = arith.constant 16 : i32
      %parallel_loop3A_137 = arith.addi %parallel_loop3A_135, %parallel_loop3A_136 : i32
      %parallel_loop3A_138 = arith.constant 0 : i32
      %parallel_loop3A_139 = arith.index_cast %parallel_loop3A_138 : i32 to index
      %parallel_loop3A_140 = arith.index_cast %parallel_loop3A_106 : i32 to index
      %parallel_loop3A_141 = arith.index_cast %parallel_loop3A_137 : i32 to index
      %parallel_loop3A_142 = tpu.vector_load %arg6[%parallel_loop3A_139, %parallel_loop3A_140, %parallel_loop3A_141] {strides = array<i32>} : memref<2x32x1024xf32, #tpu.memory_space<vmem>>, vector<1x1x16xf32>,
      %parallel_loop3A_143 = vector.shape_cast %parallel_loop3A_142 : vector<1x1x16xf32> to vector<16xf32>
      %parallel_loop3A_144 = vector.shape_cast %parallel_loop3A_133 : vector<16xf32> to vector<1x1x16xf32>
      tpu.vector_store %arg6[%parallel_loop3A_139, %parallel_loop3A_140, %parallel_loop3A_141], %parallel_loop3A_144 {strides = array<i32>} : memref<2x32x1024xf32, #tpu.memory_space<vmem>>, vector<1x1x16xf32>,
      %parallel_loop3A_145 = arith.constant 63 : i32
      %parallel_loop3A_146 = arith.addi %parallel_loop3A_112, %parallel_loop3A_145 : i32
      %parallel_loop3A_147 = arith.index_cast %parallel_loop3A_146 : i32 to index
      %parallel_loop3A_148 = tpu.vector_load %arg5[%parallel_loop3A_147] {strides = array<i32>} : memref<4096xf32, #tpu.memory_space<vmem>>, vector<16xf32>,
      %parallel_loop3A_149 = vector.shape_cast %parallel_loop3A_148 : vector<16xf32> to vector<16xf32>
      %parallel_loop3A_150 = arith.constant 128 : i32
      %parallel_loop3A_151 = arith.muli %parallel_loop3A_150, %parallel_loop3A_108 : i32
      %parallel_loop3A_152 = arith.constant 32 : i32
      %parallel_loop3A_153 = arith.addi %parallel_loop3A_151, %parallel_loop3A_152 : i32
      %parallel_loop3A_154 = arith.constant 0 : i32
      %parallel_loop3A_155 = arith.index_cast %parallel_loop3A_154 : i32 to index
      %parallel_loop3A_156 = arith.index_cast %parallel_loop3A_106 : i32 to index
      %parallel_loop3A_157 = arith.index_cast %parallel_loop3A_153 : i32 to index
      %parallel_loop3A_158 = tpu.vector_load %arg6[%parallel_loop3A_155, %parallel_loop3A_156, %parallel_loop3A_157] {strides = array<i32>} : memref<2x32x1024xf32, #tpu.memory_space<vmem>>, vector<1x1x16xf32>,
      %parallel_loop3A_159 = vector.shape_cast %parallel_loop3A_158 : vector<1x1x16xf32> to vector<16xf32>
      %parallel_loop3A_160 = vector.shape_cast %parallel_loop3A_149 : vector<16xf32> to vector<1x1x16xf32>
      tpu.vector_store %arg6[%parallel_loop3A_155, %parallel_loop3A_156, %parallel_loop3A_157], %parallel_loop3A_160 {strides = array<i32>} : memref<2x32x1024xf32, #tpu.memory_space<vmem>>, vector<1x1x16xf32>,
      %parallel_loop3A_161 = arith.constant 79 : i32
      %parallel_loop3A_162 = arith.addi %parallel_loop3A_112, %parallel_loop3A_161 : i32
      %parallel_loop3A_163 = arith.index_cast %parallel_loop3A_162 : i32 to index
      %parallel_loop3A_164 = tpu.vector_load %arg5[%parallel_loop3A_163] {strides = array<i32>} : memref<4096xf32, #tpu.memory_space<vmem>>, vector<16xf32>,
      %parallel_loop3A_165 = vector.shape_cast %parallel_loop3A_164 : vector<16xf32> to vector<16xf32>
      %parallel_loop3A_166 = arith.constant 128 : i32
      %parallel_loop3A_167 = arith.muli %parallel_loop3A_166, %parallel_loop3A_108 : i32
      %parallel_loop3A_168 = arith.constant 48 : i32
      %parallel_loop3A_169 = arith.addi %parallel_loop3A_167, %parallel_loop3A_168 : i32
      %parallel_loop3A_170 = arith.constant 0 : i32
      %parallel_loop3A_171 = arith.index_cast %parallel_loop3A_170 : i32 to index
      %parallel_loop3A_172 = arith.index_cast %parallel_loop3A_106 : i32 to index
      %parallel_loop3A_173 = arith.index_cast %parallel_loop3A_169 : i32 to index
      %parallel_loop3A_174 = tpu.vector_load %arg6[%parallel_loop3A_171, %parallel_loop3A_172, %parallel_loop3A_173] {strides = array<i32>} : memref<2x32x1024xf32, #tpu.memory_space<vmem>>, vector<1x1x16xf32>,
      %parallel_loop3A_175 = vector.shape_cast %parallel_loop3A_174 : vector<1x1x16xf32> to vector<16xf32>
      %parallel_loop3A_176 = vector.shape_cast %parallel_loop3A_165 : vector<16xf32> to vector<1x1x16xf32>
      tpu.vector_store %arg6[%parallel_loop3A_171, %parallel_loop3A_172, %parallel_loop3A_173], %parallel_loop3A_176 {strides = array<i32>} : memref<2x32x1024xf32, #tpu.memory_space<vmem>>, vector<1x1x16xf32>,
      %parallel_loop3A_177 = arith.constant 126 : i32
      %parallel_loop3A_178 = arith.addi %parallel_loop3A_112, %parallel_loop3A_177 : i32
      %parallel_loop3A_179 = arith.index_cast %parallel_loop3A_178 : i32 to index
      %parallel_loop3A_180 = tpu.vector_load %arg5[%parallel_loop3A_179] {strides = array<i32>} : memref<4096xf32, #tpu.memory_space<vmem>>, vector<16xf32>,
      %parallel_loop3A_181 = vector.shape_cast %parallel_loop3A_180 : vector<16xf32> to vector<16xf32>
      %parallel_loop3A_182 = arith.constant 128 : i32
      %parallel_loop3A_183 = arith.muli %parallel_loop3A_182, %parallel_loop3A_108 : i32
      %parallel_loop3A_184 = arith.constant 64 : i32
      %parallel_loop3A_185 = arith.addi %parallel_loop3A_183, %parallel_loop3A_184 : i32
      %parallel_loop3A_186 = arith.constant 0 : i32
      %parallel_loop3A_187 = arith.index_cast %parallel_loop3A_186 : i32 to index
      %parallel_loop3A_188 = arith.index_cast %parallel_loop3A_106 : i32 to index
      %parallel_loop3A_189 = arith.index_cast %parallel_loop3A_185 : i32 to index
      %parallel_loop3A_190 = tpu.vector_load %arg6[%parallel_loop3A_187, %parallel_loop3A_188, %parallel_loop3A_189] {strides = array<i32>} : memref<2x32x1024xf32, #tpu.memory_space<vmem>>, vector<1x1x16xf32>,
      %parallel_loop3A_191 = vector.shape_cast %parallel_loop3A_190 : vector<1x1x16xf32> to vector<16xf32>
      %parallel_loop3A_192 = vector.shape_cast %parallel_loop3A_181 : vector<16xf32> to vector<1x1x16xf32>
      tpu.vector_store %arg6[%parallel_loop3A_187, %parallel_loop3A_188, %parallel_loop3A_189], %parallel_loop3A_192 {strides = array<i32>} : memref<2x32x1024xf32, #tpu.memory_space<vmem>>, vector<1x1x16xf32>,
      %parallel_loop3A_193 = arith.constant 142 : i32
      %parallel_loop3A_194 = arith.addi %parallel_loop3A_112, %parallel_loop3A_193 : i32
      %parallel_loop3A_195 = arith.index_cast %parallel_loop3A_194 : i32 to index
      %parallel_loop3A_196 = tpu.vector_load %arg5[%parallel_loop3A_195] {strides = array<i32>} : memref<4096xf32, #tpu.memory_space<vmem>>, vector<16xf32>,
      %parallel_loop3A_197 = vector.shape_cast %parallel_loop3A_196 : vector<16xf32> to vector<16xf32>
      %parallel_loop3A_198 = arith.constant 128 : i32
      %parallel_loop3A_199 = arith.muli %parallel_loop3A_198, %parallel_loop3A_108 : i32
      %parallel_loop3A_200 = arith.constant 80 : i32
      %parallel_loop3A_201 = arith.addi %parallel_loop3A_199, %parallel_loop3A_200 : i32
      %parallel_loop3A_202 = arith.constant 0 : i32
      %parallel_loop3A_203 = arith.index_cast %parallel_loop3A_202 : i32 to index
      %parallel_loop3A_204 = arith.index_cast %parallel_loop3A_106 : i32 to index
      %parallel_loop3A_205 = arith.index_cast %parallel_loop3A_201 : i32 to index
      %parallel_loop3A_206 = tpu.vector_load %arg6[%parallel_loop3A_203, %parallel_loop3A_204, %parallel_loop3A_205] {strides = array<i32>} : memref<2x32x1024xf32, #tpu.memory_space<vmem>>, vector<1x1x16xf32>,
      %parallel_loop3A_207 = vector.shape_cast %parallel_loop3A_206 : vector<1x1x16xf32> to vector<16xf32>
      %parallel_loop3A_208 = vector.shape_cast %parallel_loop3A_197 : vector<16xf32> to vector<1x1x16xf32>
      tpu.vector_store %arg6[%parallel_loop3A_203, %parallel_loop3A_204, %parallel_loop3A_205], %parallel_loop3A_208 {strides = array<i32>} : memref<2x32x1024xf32, #tpu.memory_space<vmem>>, vector<1x1x16xf32>,
      %parallel_loop3A_209 = arith.constant 189 : i32
      %parallel_loop3A_210 = arith.addi %parallel_loop3A_112, %parallel_loop3A_209 : i32
      %parallel_loop3A_211 = arith.index_cast %parallel_loop3A_210 : i32 to index
      %parallel_loop3A_212 = tpu.vector_load %arg5[%parallel_loop3A_211] {strides = array<i32>} : memref<4096xf32, #tpu.memory_space<vmem>>, vector<16xf32>,
      %parallel_loop3A_213 = vector.shape_cast %parallel_loop3A_212 : vector<16xf32> to vector<16xf32>
      %parallel_loop3A_214 = arith.constant 128 : i32
      %parallel_loop3A_215 = arith.muli %parallel_loop3A_214, %parallel_loop3A_108 : i32
      %parallel_loop3A_216 = arith.constant 96 : i32
      %parallel_loop3A_217 = arith.addi %parallel_loop3A_215, %parallel_loop3A_216 : i32
      %parallel_loop3A_218 = arith.constant 0 : i32
      %parallel_loop3A_219 = arith.index_cast %parallel_loop3A_218 : i32 to index
      %parallel_loop3A_220 = arith.index_cast %parallel_loop3A_106 : i32 to index
      %parallel_loop3A_221 = arith.index_cast %parallel_loop3A_217 : i32 to index
      %parallel_loop3A_222 = tpu.vector_load %arg6[%parallel_loop3A_219, %parallel_loop3A_220, %parallel_loop3A_221] {strides = array<i32>} : memref<2x32x1024xf32, #tpu.memory_space<vmem>>, vector<1x1x16xf32>,
      %parallel_loop3A_223 = vector.shape_cast %parallel_loop3A_222 : vector<1x1x16xf32> to vector<16xf32>
      %parallel_loop3A_224 = vector.shape_cast %parallel_loop3A_213 : vector<16xf32> to vector<1x1x16xf32>
      tpu.vector_store %arg6[%parallel_loop3A_219, %parallel_loop3A_220, %parallel_loop3A_221], %parallel_loop3A_224 {strides = array<i32>} : memref<2x32x1024xf32, #tpu.memory_space<vmem>>, vector<1x1x16xf32>,
      %parallel_loop3A_225 = arith.constant 205 : i32
      %parallel_loop3A_226 = arith.addi %parallel_loop3A_112, %parallel_loop3A_225 : i32
      %parallel_loop3A_227 = arith.index_cast %parallel_loop3A_226 : i32 to index
      %parallel_loop3A_228 = tpu.vector_load %arg5[%parallel_loop3A_227] {strides = array<i32>} : memref<4096xf32, #tpu.memory_space<vmem>>, vector<16xf32>,
      %parallel_loop3A_229 = vector.shape_cast %parallel_loop3A_228 : vector<16xf32> to vector<16xf32>
      %parallel_loop3A_230 = arith.constant 128 : i32
      %parallel_loop3A_231 = arith.muli %parallel_loop3A_230, %parallel_loop3A_108 : i32
      %parallel_loop3A_232 = arith.constant 112 : i32
      %parallel_loop3A_233 = arith.addi %parallel_loop3A_231, %parallel_loop3A_232 : i32
      %parallel_loop3A_234 = arith.constant 0 : i32
      %parallel_loop3A_235 = arith.index_cast %parallel_loop3A_234 : i32 to index
      %parallel_loop3A_236 = arith.index_cast %parallel_loop3A_106 : i32 to index
      %parallel_loop3A_237 = arith.index_cast %parallel_loop3A_233 : i32 to index
      %parallel_loop3A_238 = tpu.vector_load %arg6[%parallel_loop3A_235, %parallel_loop3A_236, %parallel_loop3A_237] {strides = array<i32>} : memref<2x32x1024xf32, #tpu.memory_space<vmem>>, vector<1x1x16xf32>,
      %parallel_loop3A_239 = vector.shape_cast %parallel_loop3A_238 : vector<1x1x16xf32> to vector<16xf32>
      %parallel_loop3A_240 = vector.shape_cast %parallel_loop3A_229 : vector<16xf32> to vector<1x1x16xf32>
      tpu.vector_store %arg6[%parallel_loop3A_235, %parallel_loop3A_236, %parallel_loop3A_237], %parallel_loop3A_240 {strides = array<i32>} : memref<2x32x1024xf32, #tpu.memory_space<vmem>>, vector<1x1x16xf32>,
    } {sc.loop_unroll_factor = 2 : i64, sc.parallel_access}
    %mul3A_21 = arith.constant 32 : i32
    %mul3A_22 = arith.muli %add3A_15, %mul3A_21 : i32
    %dma_start3A = arith.constant 0 : i32
    %dma_start3A_23 = arith.constant 0 : i32
    %dma_start3A_24 = arith.constant 0 : i32
    %dma_start3A_25 = tpu.memref_slice %arg6[%dma_start3A, %dma_start3A_23, %dma_start3A_24] : memref<2x32x1024xf32, #tpu.memory_space<vmem>> -> memref<1x32x1024xf32, #tpu.memory_space<vmem>>
    %dma_start3A_26 = tpu.memref_squeeze %dma_start3A_25 : memref<1x32x1024xf32, #tpu.memory_space<vmem>> -> memref<32x1024xf32, #tpu.memory_space<vmem>>
    %dma_start3A_27 = arith.constant 0 : i32
    %dma_start3A_28 = tpu.memref_slice %arg3[%arg1, %mul3A_22, %dma_start3A_27] : memref<16x1024x1024xf32, #tpu.memory_space<hbm>> -> memref<1x32x1024xf32, #tpu.memory_space<hbm>>
    %dma_start3A_29 = tpu.memref_squeeze %dma_start3A_28 : memref<1x32x1024xf32, #tpu.memory_space<hbm>> -> memref<32x1024xf32, #tpu.memory_space<hbm>>
    %dma_start3A_30 = arith.constant 0 : i32
    %dma_start3A_31 = tpu.memref_slice %arg3[%arg1, %mul3A_22, %dma_start3A_30] : memref<16x1024x1024xf32, #tpu.memory_space<hbm>> -> memref<1x32x1024xf32, #tpu.memory_space<hbm>>
    %dma_start3A_32 = tpu.memref_squeeze %dma_start3A_31 : memref<1x32x1024xf32, #tpu.memory_space<hbm>> -> memref<32x1024xf32, #tpu.memory_space<hbm>>
    %dma_start3A_33 = arith.constant 0 : i32
    %dma_start3A_34 = arith.constant 0 : i32
    %dma_start3A_35 = tpu.memref_slice %arg6[%dma_start3A, %dma_start3A_33, %dma_start3A_34] : memref<2x32x1024xf32, #tpu.memory_space<vmem>> -> memref<1x32x1024xf32, #tpu.memory_space<vmem>>
    %dma_start3A_36 = tpu.memref_squeeze %dma_start3A_35 : memref<1x32x1024xf32, #tpu.memory_space<vmem>> -> memref<32x1024xf32, #tpu.memory_space<vmem>>
    tpu.enqueue_dma source(%dma_start3A_36 : memref<32x1024xf32, #tpu.memory_space<vmem>>) target(%dma_start3A_32 : memref<32x1024xf32, #tpu.memory_space<hbm>>) target_semaphore(%arg7 : memref<!tpu.dma_semaphore, #tpu.memory_space<semaphore_mem>>)
    %mul3A_37 = arith.constant 16 : i32
    %mul3A_38 = arith.muli %mul3A_37, %arg0 : i32
    %add3A_39 = arith.constant 1 : i32
    %add3A_40 = arith.addi %mul3A_38, %add3A_39 : i32
    %mul3A_41 = arith.constant 63 : i32
    %mul3A_42 = arith.muli %mul3A_41, %add3A_40 : i32
    %sub3A_43 = arith.constant 1984 : i32
    %sub3A_44 = arith.subi %sub3A_43, %mul3A_42 : i32
    %parallel_loop3A_45 = arith.constant 0 : i32
    %parallel_loop3A_46 = arith.constant 256 : i32
    %parallel_loop3A_47 = arith.constant 1 : i32
    scf.for %parallel_loop3A_104 = %parallel_loop3A_45 to %parallel_loop3A_46 step %parallel_loop3A_47  : i32 {
      %parallel_loop3A_105 = arith.constant 3 : i32
      %parallel_loop3A_106 = arith.shrsi %parallel_loop3A_104, %parallel_loop3A_105 : i32
      %parallel_loop3A_107 = arith.constant 7 : i32
      %parallel_loop3A_108 = arith.andi %parallel_loop3A_104, %parallel_loop3A_107 : i32
      %parallel_loop3A_109 = arith.subi %sub3A_44, %parallel_loop3A_106 : i32
      %parallel_loop3A_110 = arith.constant 252 : i32
      %parallel_loop3A_111 = arith.muli %parallel_loop3A_110, %parallel_loop3A_108 : i32
      %parallel_loop3A_112 = arith.addi %parallel_loop3A_109, %parallel_loop3A_111 : i32
      %parallel_loop3A_113 = arith.constant 0 : i32
      %parallel_loop3A_114 = arith.addi %parallel_loop3A_112, %parallel_loop3A_113 : i32
      %parallel_loop3A_115 = arith.index_cast %parallel_loop3A_114 : i32 to index
      %parallel_loop3A_116 = tpu.vector_load %arg5[%parallel_loop3A_115] {strides = array<i32>} : memref<4096xf32, #tpu.memory_space<vmem>>, vector<16xf32>,
      %parallel_loop3A_117 = vector.shape_cast %parallel_loop3A_116 : vector<16xf32> to vector<16xf32>
      %parallel_loop3A_118 = arith.constant 128 : i32
      %parallel_loop3A_119 = arith.muli %parallel_loop3A_118, %parallel_loop3A_108 : i32
      %parallel_loop3A_120 = arith.constant 0 : i32
      %parallel_loop3A_121 = arith.addi %parallel_loop3A_119, %parallel_loop3A_120 : i32
      %parallel_loop3A_122 = arith.constant 1 : i32
      %parallel_loop3A_123 = arith.index_cast %parallel_loop3A_122 : i32 to index
      %parallel_loop3A_124 = arith.index_cast %parallel_loop3A_106 : i32 to index
      %parallel_loop3A_125 = arith.index_cast %parallel_loop3A_121 : i32 to index
      %parallel_loop3A_126 = tpu.vector_load %arg6[%parallel_loop3A_123, %parallel_loop3A_124, %parallel_loop3A_125] {strides = array<i32>} : memref<2x32x1024xf32, #tpu.memory_space<vmem>>, vector<1x1x16xf32>,
      %parallel_loop3A_127 = vector.shape_cast %parallel_loop3A_126 : vector<1x1x16xf32> to vector<16xf32>
      %parallel_loop3A_128 = vector.shape_cast %parallel_loop3A_117 : vector<16xf32> to vector<1x1x16xf32>
      tpu.vector_store %arg6[%parallel_loop3A_123, %parallel_loop3A_124, %parallel_loop3A_125], %parallel_loop3A_128 {strides = array<i32>} : memref<2x32x1024xf32, #tpu.memory_space<vmem>>, vector<1x1x16xf32>,
      %parallel_loop3A_129 = arith.constant 16 : i32
      %parallel_loop3A_130 = arith.addi %parallel_loop3A_112, %parallel_loop3A_129 : i32
      %parallel_loop3A_131 = arith.index_cast %parallel_loop3A_130 : i32 to index
      %parallel_loop3A_132 = tpu.vector_load %arg5[%parallel_loop3A_131] {strides = array<i32>} : memref<4096xf32, #tpu.memory_space<vmem>>, vector<16xf32>,
      %parallel_loop3A_133 = vector.shape_cast %parallel_loop3A_132 : vector<16xf32> to vector<16xf32>
      %parallel_loop3A_134 = arith.constant 128 : i32
      %parallel_loop3A_135 = arith.muli %parallel_loop3A_134, %parallel_loop3A_108 : i32
      %parallel_loop3A_136 = arith.constant 16 : i32
      %parallel_loop3A_137 = arith.addi %parallel_loop3A_135, %parallel_loop3A_136 : i32
      %parallel_loop3A_138 = arith.constant 1 : i32
      %parallel_loop3A_139 = arith.index_cast %parallel_loop3A_138 : i32 to index
      %parallel_loop3A_140 = arith.index_cast %parallel_loop3A_106 : i32 to index
      %parallel_loop3A_141 = arith.index_cast %parallel_loop3A_137 : i32 to index
      %parallel_loop3A_142 = tpu.vector_load %arg6[%parallel_loop3A_139, %parallel_loop3A_140, %parallel_loop3A_141] {strides = array<i32>} : memref<2x32x1024xf32, #tpu.memory_space<vmem>>, vector<1x1x16xf32>,
      %parallel_loop3A_143 = vector.shape_cast %parallel_loop3A_142 : vector<1x1x16xf32> to vector<16xf32>
      %parallel_loop3A_144 = vector.shape_cast %parallel_loop3A_133 : vector<16xf32> to vector<1x1x16xf32>
      tpu.vector_store %arg6[%parallel_loop3A_139, %parallel_loop3A_140, %parallel_loop3A_141], %parallel_loop3A_144 {strides = array<i32>} : memref<2x32x1024xf32, #tpu.memory_space<vmem>>, vector<1x1x16xf32>,
      %parallel_loop3A_145 = arith.constant 63 : i32
      %parallel_loop3A_146 = arith.addi %parallel_loop3A_112, %parallel_loop3A_145 : i32
      %parallel_loop3A_147 = arith.index_cast %parallel_loop3A_146 : i32 to index
      %parallel_loop3A_148 = tpu.vector_load %arg5[%parallel_loop3A_147] {strides = array<i32>} : memref<4096xf32, #tpu.memory_space<vmem>>, vector<16xf32>,
      %parallel_loop3A_149 = vector.shape_cast %parallel_loop3A_148 : vector<16xf32> to vector<16xf32>
      %parallel_loop3A_150 = arith.constant 128 : i32
      %parallel_loop3A_151 = arith.muli %parallel_loop3A_150, %parallel_loop3A_108 : i32
      %parallel_loop3A_152 = arith.constant 32 : i32
      %parallel_loop3A_153 = arith.addi %parallel_loop3A_151, %parallel_loop3A_152 : i32
      %parallel_loop3A_154 = arith.constant 1 : i32
      %parallel_loop3A_155 = arith.index_cast %parallel_loop3A_154 : i32 to index
      %parallel_loop3A_156 = arith.index_cast %parallel_loop3A_106 : i32 to index
      %parallel_loop3A_157 = arith.index_cast %parallel_loop3A_153 : i32 to index
      %parallel_loop3A_158 = tpu.vector_load %arg6[%parallel_loop3A_155, %parallel_loop3A_156, %parallel_loop3A_157] {strides = array<i32>} : memref<2x32x1024xf32, #tpu.memory_space<vmem>>, vector<1x1x16xf32>,
      %parallel_loop3A_159 = vector.shape_cast %parallel_loop3A_158 : vector<1x1x16xf32> to vector<16xf32>
      %parallel_loop3A_160 = vector.shape_cast %parallel_loop3A_149 : vector<16xf32> to vector<1x1x16xf32>
      tpu.vector_store %arg6[%parallel_loop3A_155, %parallel_loop3A_156, %parallel_loop3A_157], %parallel_loop3A_160 {strides = array<i32>} : memref<2x32x1024xf32, #tpu.memory_space<vmem>>, vector<1x1x16xf32>,
      %parallel_loop3A_161 = arith.constant 79 : i32
      %parallel_loop3A_162 = arith.addi %parallel_loop3A_112, %parallel_loop3A_161 : i32
      %parallel_loop3A_163 = arith.index_cast %parallel_loop3A_162 : i32 to index
      %parallel_loop3A_164 = tpu.vector_load %arg5[%parallel_loop3A_163] {strides = array<i32>} : memref<4096xf32, #tpu.memory_space<vmem>>, vector<16xf32>,
      %parallel_loop3A_165 = vector.shape_cast %parallel_loop3A_164 : vector<16xf32> to vector<16xf32>
      %parallel_loop3A_166 = arith.constant 128 : i32
      %parallel_loop3A_167 = arith.muli %parallel_loop3A_166, %parallel_loop3A_108 : i32
      %parallel_loop3A_168 = arith.constant 48 : i32
      %parallel_loop3A_169 = arith.addi %parallel_loop3A_167, %parallel_loop3A_168 : i32
      %parallel_loop3A_170 = arith.constant 1 : i32
      %parallel_loop3A_171 = arith.index_cast %parallel_loop3A_170 : i32 to index
      %parallel_loop3A_172 = arith.index_cast %parallel_loop3A_106 : i32 to index
      %parallel_loop3A_173 = arith.index_cast %parallel_loop3A_169 : i32 to index
      %parallel_loop3A_174 = tpu.vector_load %arg6[%parallel_loop3A_171, %parallel_loop3A_172, %parallel_loop3A_173] {strides = array<i32>} : memref<2x32x1024xf32, #tpu.memory_space<vmem>>, vector<1x1x16xf32>,
      %parallel_loop3A_175 = vector.shape_cast %parallel_loop3A_174 : vector<1x1x16xf32> to vector<16xf32>
      %parallel_loop3A_176 = vector.shape_cast %parallel_loop3A_165 : vector<16xf32> to vector<1x1x16xf32>
      tpu.vector_store %arg6[%parallel_loop3A_171, %parallel_loop3A_172, %parallel_loop3A_173], %parallel_loop3A_176 {strides = array<i32>} : memref<2x32x1024xf32, #tpu.memory_space<vmem>>, vector<1x1x16xf32>,
      %parallel_loop3A_177 = arith.constant 126 : i32
      %parallel_loop3A_178 = arith.addi %parallel_loop3A_112, %parallel_loop3A_177 : i32
      %parallel_loop3A_179 = arith.index_cast %parallel_loop3A_178 : i32 to index
      %parallel_loop3A_180 = tpu.vector_load %arg5[%parallel_loop3A_179] {strides = array<i32>} : memref<4096xf32, #tpu.memory_space<vmem>>, vector<16xf32>,
      %parallel_loop3A_181 = vector.shape_cast %parallel_loop3A_180 : vector<16xf32> to vector<16xf32>
      %parallel_loop3A_182 = arith.constant 128 : i32
      %parallel_loop3A_183 = arith.muli %parallel_loop3A_182, %parallel_loop3A_108 : i32
      %parallel_loop3A_184 = arith.constant 64 : i32
      %parallel_loop3A_185 = arith.addi %parallel_loop3A_183, %parallel_loop3A_184 : i32
      %parallel_loop3A_186 = arith.constant 1 : i32
      %parallel_loop3A_187 = arith.index_cast %parallel_loop3A_186 : i32 to index
      %parallel_loop3A_188 = arith.index_cast %parallel_loop3A_106 : i32 to index
      %parallel_loop3A_189 = arith.index_cast %parallel_loop3A_185 : i32 to index
      %parallel_loop3A_190 = tpu.vector_load %arg6[%parallel_loop3A_187, %parallel_loop3A_188, %parallel_loop3A_189] {strides = array<i32>} : memref<2x32x1024xf32, #tpu.memory_space<vmem>>, vector<1x1x16xf32>,
      %parallel_loop3A_191 = vector.shape_cast %parallel_loop3A_190 : vector<1x1x16xf32> to vector<16xf32>
      %parallel_loop3A_192 = vector.shape_cast %parallel_loop3A_181 : vector<16xf32> to vector<1x1x16xf32>
      tpu.vector_store %arg6[%parallel_loop3A_187, %parallel_loop3A_188, %parallel_loop3A_189], %parallel_loop3A_192 {strides = array<i32>} : memref<2x32x1024xf32, #tpu.memory_space<vmem>>, vector<1x1x16xf32>,
      %parallel_loop3A_193 = arith.constant 142 : i32
      %parallel_loop3A_194 = arith.addi %parallel_loop3A_112, %parallel_loop3A_193 : i32
      %parallel_loop3A_195 = arith.index_cast %parallel_loop3A_194 : i32 to index
      %parallel_loop3A_196 = tpu.vector_load %arg5[%parallel_loop3A_195] {strides = array<i32>} : memref<4096xf32, #tpu.memory_space<vmem>>, vector<16xf32>,
      %parallel_loop3A_197 = vector.shape_cast %parallel_loop3A_196 : vector<16xf32> to vector<16xf32>
      %parallel_loop3A_198 = arith.constant 128 : i32
      %parallel_loop3A_199 = arith.muli %parallel_loop3A_198, %parallel_loop3A_108 : i32
      %parallel_loop3A_200 = arith.constant 80 : i32
      %parallel_loop3A_201 = arith.addi %parallel_loop3A_199, %parallel_loop3A_200 : i32
      %parallel_loop3A_202 = arith.constant 1 : i32
      %parallel_loop3A_203 = arith.index_cast %parallel_loop3A_202 : i32 to index
      %parallel_loop3A_204 = arith.index_cast %parallel_loop3A_106 : i32 to index
      %parallel_loop3A_205 = arith.index_cast %parallel_loop3A_201 : i32 to index
      %parallel_loop3A_206 = tpu.vector_load %arg6[%parallel_loop3A_203, %parallel_loop3A_204, %parallel_loop3A_205] {strides = array<i32>} : memref<2x32x1024xf32, #tpu.memory_space<vmem>>, vector<1x1x16xf32>,
      %parallel_loop3A_207 = vector.shape_cast %parallel_loop3A_206 : vector<1x1x16xf32> to vector<16xf32>
      %parallel_loop3A_208 = vector.shape_cast %parallel_loop3A_197 : vector<16xf32> to vector<1x1x16xf32>
      tpu.vector_store %arg6[%parallel_loop3A_203, %parallel_loop3A_204, %parallel_loop3A_205], %parallel_loop3A_208 {strides = array<i32>} : memref<2x32x1024xf32, #tpu.memory_space<vmem>>, vector<1x1x16xf32>,
      %parallel_loop3A_209 = arith.constant 189 : i32
      %parallel_loop3A_210 = arith.addi %parallel_loop3A_112, %parallel_loop3A_209 : i32
      %parallel_loop3A_211 = arith.index_cast %parallel_loop3A_210 : i32 to index
      %parallel_loop3A_212 = tpu.vector_load %arg5[%parallel_loop3A_211] {strides = array<i32>} : memref<4096xf32, #tpu.memory_space<vmem>>, vector<16xf32>,
      %parallel_loop3A_213 = vector.shape_cast %parallel_loop3A_212 : vector<16xf32> to vector<16xf32>
      %parallel_loop3A_214 = arith.constant 128 : i32
      %parallel_loop3A_215 = arith.muli %parallel_loop3A_214, %parallel_loop3A_108 : i32
      %parallel_loop3A_216 = arith.constant 96 : i32
      %parallel_loop3A_217 = arith.addi %parallel_loop3A_215, %parallel_loop3A_216 : i32
      %parallel_loop3A_218 = arith.constant 1 : i32
      %parallel_loop3A_219 = arith.index_cast %parallel_loop3A_218 : i32 to index
      %parallel_loop3A_220 = arith.index_cast %parallel_loop3A_106 : i32 to index
      %parallel_loop3A_221 = arith.index_cast %parallel_loop3A_217 : i32 to index
      %parallel_loop3A_222 = tpu.vector_load %arg6[%parallel_loop3A_219, %parallel_loop3A_220, %parallel_loop3A_221] {strides = array<i32>} : memref<2x32x1024xf32, #tpu.memory_space<vmem>>, vector<1x1x16xf32>,
      %parallel_loop3A_223 = vector.shape_cast %parallel_loop3A_222 : vector<1x1x16xf32> to vector<16xf32>
      %parallel_loop3A_224 = vector.shape_cast %parallel_loop3A_213 : vector<16xf32> to vector<1x1x16xf32>
      tpu.vector_store %arg6[%parallel_loop3A_219, %parallel_loop3A_220, %parallel_loop3A_221], %parallel_loop3A_224 {strides = array<i32>} : memref<2x32x1024xf32, #tpu.memory_space<vmem>>, vector<1x1x16xf32>,
      %parallel_loop3A_225 = arith.constant 205 : i32
      %parallel_loop3A_226 = arith.addi %parallel_loop3A_112, %parallel_loop3A_225 : i32
      %parallel_loop3A_227 = arith.index_cast %parallel_loop3A_226 : i32 to index
      %parallel_loop3A_228 = tpu.vector_load %arg5[%parallel_loop3A_227] {strides = array<i32>} : memref<4096xf32, #tpu.memory_space<vmem>>, vector<16xf32>,
      %parallel_loop3A_229 = vector.shape_cast %parallel_loop3A_228 : vector<16xf32> to vector<16xf32>
      %parallel_loop3A_230 = arith.constant 128 : i32
      %parallel_loop3A_231 = arith.muli %parallel_loop3A_230, %parallel_loop3A_108 : i32
      %parallel_loop3A_232 = arith.constant 112 : i32
      %parallel_loop3A_233 = arith.addi %parallel_loop3A_231, %parallel_loop3A_232 : i32
      %parallel_loop3A_234 = arith.constant 1 : i32
      %parallel_loop3A_235 = arith.index_cast %parallel_loop3A_234 : i32 to index
      %parallel_loop3A_236 = arith.index_cast %parallel_loop3A_106 : i32 to index
      %parallel_loop3A_237 = arith.index_cast %parallel_loop3A_233 : i32 to index
      %parallel_loop3A_238 = tpu.vector_load %arg6[%parallel_loop3A_235, %parallel_loop3A_236, %parallel_loop3A_237] {strides = array<i32>} : memref<2x32x1024xf32, #tpu.memory_space<vmem>>, vector<1x1x16xf32>,
      %parallel_loop3A_239 = vector.shape_cast %parallel_loop3A_238 : vector<1x1x16xf32> to vector<16xf32>
      %parallel_loop3A_240 = vector.shape_cast %parallel_loop3A_229 : vector<16xf32> to vector<1x1x16xf32>
      tpu.vector_store %arg6[%parallel_loop3A_235, %parallel_loop3A_236, %parallel_loop3A_237], %parallel_loop3A_240 {strides = array<i32>} : memref<2x32x1024xf32, #tpu.memory_space<vmem>>, vector<1x1x16xf32>,
    } {sc.loop_unroll_factor = 2 : i64, sc.parallel_access}
    %mul3A_48 = arith.constant 32 : i32
    %mul3A_49 = arith.muli %add3A_40, %mul3A_48 : i32
    %dma_start3A_50 = arith.constant 1 : i32
    %dma_start3A_51 = arith.constant 0 : i32
    %dma_start3A_52 = arith.constant 0 : i32
    %dma_start3A_53 = tpu.memref_slice %arg6[%dma_start3A_50, %dma_start3A_51, %dma_start3A_52] : memref<2x32x1024xf32, #tpu.memory_space<vmem>> -> memref<1x32x1024xf32, #tpu.memory_space<vmem>>
    %dma_start3A_54 = tpu.memref_squeeze %dma_start3A_53 : memref<1x32x1024xf32, #tpu.memory_space<vmem>> -> memref<32x1024xf32, #tpu.memory_space<vmem>>
    %dma_start3A_55 = arith.constant 0 : i32
    %dma_start3A_56 = tpu.memref_slice %arg3[%arg1, %mul3A_49, %dma_start3A_55] : memref<16x1024x1024xf32, #tpu.memory_space<hbm>> -> memref<1x32x1024xf32, #tpu.memory_space<hbm>>
    %dma_start3A_57 = tpu.memref_squeeze %dma_start3A_56 : memref<1x32x1024xf32, #tpu.memory_space<hbm>> -> memref<32x1024xf32, #tpu.memory_space<hbm>>
    %dma_start3A_58 = arith.constant 0 : i32
    %dma_start3A_59 = tpu.memref_slice %arg3[%arg1, %mul3A_49, %dma_start3A_58] : memref<16x1024x1024xf32, #tpu.memory_space<hbm>> -> memref<1x32x1024xf32, #tpu.memory_space<hbm>>
    %dma_start3A_60 = tpu.memref_squeeze %dma_start3A_59 : memref<1x32x1024xf32, #tpu.memory_space<hbm>> -> memref<32x1024xf32, #tpu.memory_space<hbm>>
    %dma_start3A_61 = arith.constant 0 : i32
    %dma_start3A_62 = arith.constant 0 : i32
    %dma_start3A_63 = tpu.memref_slice %arg6[%dma_start3A_50, %dma_start3A_61, %dma_start3A_62] : memref<2x32x1024xf32, #tpu.memory_space<vmem>> -> memref<1x32x1024xf32, #tpu.memory_space<vmem>>
    %dma_start3A_64 = tpu.memref_squeeze %dma_start3A_63 : memref<1x32x1024xf32, #tpu.memory_space<vmem>> -> memref<32x1024xf32, #tpu.memory_space<vmem>>
    tpu.enqueue_dma source(%dma_start3A_64 : memref<32x1024xf32, #tpu.memory_space<vmem>>) target(%dma_start3A_60 : memref<32x1024xf32, #tpu.memory_space<hbm>>) target_semaphore(%arg8 : memref<!tpu.dma_semaphore, #tpu.memory_space<semaphore_mem>>)
    %scan3A_65 = arith.constant 0 : i32
    %scan3A_66 = arith.constant 1 : i32
    %scan3A_67 = arith.constant 7 : i32
    %scan3A_68 = arith.addi %scan3A_66, %scan3A_67 : i32
    %scan3A_69 = arith.constant 1 : i32
    scf.for %scan3A_104 = %scan3A_66 to %scan3A_68 step %scan3A_69  : i32 {
      %mul3A_105 = arith.constant 2 : i32
      %mul3A_106 = arith.muli %mul3A_105, %scan3A_104 : i32
      %dma_wait3A_107 = arith.constant 0 : i32
      %dma_wait3A_108 = arith.constant 0 : i32
      %dma_wait3A_109 = arith.constant 0 : i32
      %dma_wait3A_110 = tpu.memref_slice %arg6[%dma_wait3A_107, %dma_wait3A_108, %dma_wait3A_109] : memref<2x32x1024xf32, #tpu.memory_space<vmem>> -> memref<1x32x1024xf32, #tpu.memory_space<vmem>>
      %dma_wait3A_111 = tpu.memref_squeeze %dma_wait3A_110 : memref<1x32x1024xf32, #tpu.memory_space<vmem>> -> memref<32x1024xf32, #tpu.memory_space<vmem>>
      %dma_wait3A_112 = arith.constant 0 : i32
      %dma_wait3A_113 = arith.constant 0 : i32
      %dma_wait3A_114 = tpu.memref_slice %arg3[%arg1, %dma_wait3A_112, %dma_wait3A_113] : memref<16x1024x1024xf32, #tpu.memory_space<hbm>> -> memref<1x32x1024xf32, #tpu.memory_space<hbm>>
      %dma_wait3A_115 = tpu.memref_squeeze %dma_wait3A_114 : memref<1x32x1024xf32, #tpu.memory_space<hbm>> -> memref<32x1024xf32, #tpu.memory_space<hbm>>
      %dma_wait3A_116 = arith.constant 0 : i32
      %dma_wait3A_117 = arith.constant 0 : i32
      %dma_wait3A_118 = tpu.memref_slice %arg3[%arg1, %dma_wait3A_116, %dma_wait3A_117] : memref<16x1024x1024xf32, #tpu.memory_space<hbm>> -> memref<1x32x1024xf32, #tpu.memory_space<hbm>>
      %dma_wait3A_119 = tpu.memref_squeeze %dma_wait3A_118 : memref<1x32x1024xf32, #tpu.memory_space<hbm>> -> memref<32x1024xf32, #tpu.memory_space<hbm>>
      %dma_wait3A_120 = arith.constant 0 : i32
      %dma_wait3A_121 = arith.constant 0 : i32
      %dma_wait3A_122 = tpu.memref_slice %arg6[%dma_wait3A_107, %dma_wait3A_120, %dma_wait3A_121] : memref<2x32x1024xf32, #tpu.memory_space<vmem>> -> memref<1x32x1024xf32, #tpu.memory_space<vmem>>
      %dma_wait3A_123 = tpu.memref_squeeze %dma_wait3A_122 : memref<1x32x1024xf32, #tpu.memory_space<vmem>> -> memref<32x1024xf32, #tpu.memory_space<vmem>>
      tpu.wait_dma2 semaphore(%arg7 : memref<!tpu.dma_semaphore, #tpu.memory_space<semaphore_mem>>) src(%dma_wait3A_123 : memref<32x1024xf32, #tpu.memory_space<vmem>>) dst(%dma_wait3A_119 : memref<32x1024xf32, #tpu.memory_space<hbm>>)
      %add3A_124 = arith.constant 0 : i32
      %add3A_125 = arith.addi %mul3A_106, %add3A_124 : i32
      %mul3A_126 = arith.constant 16 : i32
      %mul3A_127 = arith.muli %mul3A_126, %arg0 : i32
      %add3A_128 = arith.addi %mul3A_127, %add3A_125 : i32
      %mul3A_129 = arith.constant 63 : i32
      %mul3A_130 = arith.muli %mul3A_129, %add3A_128 : i32
      %sub3A_131 = arith.constant 1984 : i32
      %sub3A_132 = arith.subi %sub3A_131, %mul3A_130 : i32
      %parallel_loop3A_133 = arith.constant 0 : i32
      %parallel_loop3A_134 = arith.constant 256 : i32
      %parallel_loop3A_135 = arith.constant 1 : i32
      scf.for %parallel_loop3A_199 = %parallel_loop3A_133 to %parallel_loop3A_134 step %parallel_loop3A_135  : i32 {
        %parallel_loop3A_200 = arith.constant 3 : i32
        %parallel_loop3A_201 = arith.shrsi %parallel_loop3A_199, %parallel_loop3A_200 : i32
        %parallel_loop3A_202 = arith.constant 7 : i32
        %parallel_loop3A_203 = arith.andi %parallel_loop3A_199, %parallel_loop3A_202 : i32
        %parallel_loop3A_204 = arith.subi %sub3A_132, %parallel_loop3A_201 : i32
        %parallel_loop3A_205 = arith.constant 252 : i32
        %parallel_loop3A_206 = arith.muli %parallel_loop3A_205, %parallel_loop3A_203 : i32
        %parallel_loop3A_207 = arith.addi %parallel_loop3A_204, %parallel_loop3A_206 : i32
        %parallel_loop3A_208 = arith.constant 0 : i32
        %parallel_loop3A_209 = arith.addi %parallel_loop3A_207, %parallel_loop3A_208 : i32
        %parallel_loop3A_210 = arith.index_cast %parallel_loop3A_209 : i32 to index
        %parallel_loop3A_211 = tpu.vector_load %arg5[%parallel_loop3A_210] {strides = array<i32>} : memref<4096xf32, #tpu.memory_space<vmem>>, vector<16xf32>,
        %parallel_loop3A_212 = vector.shape_cast %parallel_loop3A_211 : vector<16xf32> to vector<16xf32>
        %parallel_loop3A_213 = arith.constant 128 : i32
        %parallel_loop3A_214 = arith.muli %parallel_loop3A_213, %parallel_loop3A_203 : i32
        %parallel_loop3A_215 = arith.constant 0 : i32
        %parallel_loop3A_216 = arith.addi %parallel_loop3A_214, %parallel_loop3A_215 : i32
        %parallel_loop3A_217 = arith.constant 0 : i32
        %parallel_loop3A_218 = arith.index_cast %parallel_loop3A_217 : i32 to index
        %parallel_loop3A_219 = arith.index_cast %parallel_loop3A_201 : i32 to index
        %parallel_loop3A_220 = arith.index_cast %parallel_loop3A_216 : i32 to index
        %parallel_loop3A_221 = tpu.vector_load %arg6[%parallel_loop3A_218, %parallel_loop3A_219, %parallel_loop3A_220] {strides = array<i32>} : memref<2x32x1024xf32, #tpu.memory_space<vmem>>, vector<1x1x16xf32>,
        %parallel_loop3A_222 = vector.shape_cast %parallel_loop3A_221 : vector<1x1x16xf32> to vector<16xf32>
        %parallel_loop3A_223 = vector.shape_cast %parallel_loop3A_212 : vector<16xf32> to vector<1x1x16xf32>
        tpu.vector_store %arg6[%parallel_loop3A_218, %parallel_loop3A_219, %parallel_loop3A_220], %parallel_loop3A_223 {strides = array<i32>} : memref<2x32x1024xf32, #tpu.memory_space<vmem>>, vector<1x1x16xf32>,
        %parallel_loop3A_224 = arith.constant 16 : i32
        %parallel_loop3A_225 = arith.addi %parallel_loop3A_207, %parallel_loop3A_224 : i32
        %parallel_loop3A_226 = arith.index_cast %parallel_loop3A_225 : i32 to index
        %parallel_loop3A_227 = tpu.vector_load %arg5[%parallel_loop3A_226] {strides = array<i32>} : memref<4096xf32, #tpu.memory_space<vmem>>, vector<16xf32>,
        %parallel_loop3A_228 = vector.shape_cast %parallel_loop3A_227 : vector<16xf32> to vector<16xf32>
        %parallel_loop3A_229 = arith.constant 128 : i32
        %parallel_loop3A_230 = arith.muli %parallel_loop3A_229, %parallel_loop3A_203 : i32
        %parallel_loop3A_231 = arith.constant 16 : i32
        %parallel_loop3A_232 = arith.addi %parallel_loop3A_230, %parallel_loop3A_231 : i32
        %parallel_loop3A_233 = arith.constant 0 : i32
        %parallel_loop3A_234 = arith.index_cast %parallel_loop3A_233 : i32 to index
        %parallel_loop3A_235 = arith.index_cast %parallel_loop3A_201 : i32 to index
        %parallel_loop3A_236 = arith.index_cast %parallel_loop3A_232 : i32 to index
        %parallel_loop3A_237 = tpu.vector_load %arg6[%parallel_loop3A_234, %parallel_loop3A_235, %parallel_loop3A_236] {strides = array<i32>} : memref<2x32x1024xf32, #tpu.memory_space<vmem>>, vector<1x1x16xf32>,
        %parallel_loop3A_238 = vector.shape_cast %parallel_loop3A_237 : vector<1x1x16xf32> to vector<16xf32>
        %parallel_loop3A_239 = vector.shape_cast %parallel_loop3A_228 : vector<16xf32> to vector<1x1x16xf32>
        tpu.vector_store %arg6[%parallel_loop3A_234, %parallel_loop3A_235, %parallel_loop3A_236], %parallel_loop3A_239 {strides = array<i32>} : memref<2x32x1024xf32, #tpu.memory_space<vmem>>, vector<1x1x16xf32>,
        %parallel_loop3A_240 = arith.constant 63 : i32
        %parallel_loop3A_241 = arith.addi %parallel_loop3A_207, %parallel_loop3A_240 : i32
        %parallel_loop3A_242 = arith.index_cast %parallel_loop3A_241 : i32 to index
        %parallel_loop3A_243 = tpu.vector_load %arg5[%parallel_loop3A_242] {strides = array<i32>} : memref<4096xf32, #tpu.memory_space<vmem>>, vector<16xf32>,
        %parallel_loop3A_244 = vector.shape_cast %parallel_loop3A_243 : vector<16xf32> to vector<16xf32>
        %parallel_loop3A_245 = arith.constant 128 : i32
        %parallel_loop3A_246 = arith.muli %parallel_loop3A_245, %parallel_loop3A_203 : i32
        %parallel_loop3A_247 = arith.constant 32 : i32
        %parallel_loop3A_248 = arith.addi %parallel_loop3A_246, %parallel_loop3A_247 : i32
        %parallel_loop3A_249 = arith.constant 0 : i32
        %parallel_loop3A_250 = arith.index_cast %parallel_loop3A_249 : i32 to index
        %parallel_loop3A_251 = arith.index_cast %parallel_loop3A_201 : i32 to index
        %parallel_loop3A_252 = arith.index_cast %parallel_loop3A_248 : i32 to index
        %parallel_loop3A_253 = tpu.vector_load %arg6[%parallel_loop3A_250, %parallel_loop3A_251, %parallel_loop3A_252] {strides = array<i32>} : memref<2x32x1024xf32, #tpu.memory_space<vmem>>, vector<1x1x16xf32>,
        %parallel_loop3A_254 = vector.shape_cast %parallel_loop3A_253 : vector<1x1x16xf32> to vector<16xf32>
        %parallel_loop3A_255 = vector.shape_cast %parallel_loop3A_244 : vector<16xf32> to vector<1x1x16xf32>
        tpu.vector_store %arg6[%parallel_loop3A_250, %parallel_loop3A_251, %parallel_loop3A_252], %parallel_loop3A_255 {strides = array<i32>} : memref<2x32x1024xf32, #tpu.memory_space<vmem>>, vector<1x1x16xf32>,
        %parallel_loop3A_256 = arith.constant 79 : i32
        %parallel_loop3A_257 = arith.addi %parallel_loop3A_207, %parallel_loop3A_256 : i32
        %parallel_loop3A_258 = arith.index_cast %parallel_loop3A_257 : i32 to index
        %parallel_loop3A_259 = tpu.vector_load %arg5[%parallel_loop3A_258] {strides = array<i32>} : memref<4096xf32, #tpu.memory_space<vmem>>, vector<16xf32>,
        %parallel_loop3A_260 = vector.shape_cast %parallel_loop3A_259 : vector<16xf32> to vector<16xf32>
        %parallel_loop3A_261 = arith.constant 128 : i32
        %parallel_loop3A_262 = arith.muli %parallel_loop3A_261, %parallel_loop3A_203 : i32
        %parallel_loop3A_263 = arith.constant 48 : i32
        %parallel_loop3A_264 = arith.addi %parallel_loop3A_262, %parallel_loop3A_263 : i32
        %parallel_loop3A_265 = arith.constant 0 : i32
        %parallel_loop3A_266 = arith.index_cast %parallel_loop3A_265 : i32 to index
        %parallel_loop3A_267 = arith.index_cast %parallel_loop3A_201 : i32 to index
        %parallel_loop3A_268 = arith.index_cast %parallel_loop3A_264 : i32 to index
        %parallel_loop3A_269 = tpu.vector_load %arg6[%parallel_loop3A_266, %parallel_loop3A_267, %parallel_loop3A_268] {strides = array<i32>} : memref<2x32x1024xf32, #tpu.memory_space<vmem>>, vector<1x1x16xf32>,
        %parallel_loop3A_270 = vector.shape_cast %parallel_loop3A_269 : vector<1x1x16xf32> to vector<16xf32>
        %parallel_loop3A_271 = vector.shape_cast %parallel_loop3A_260 : vector<16xf32> to vector<1x1x16xf32>
        tpu.vector_store %arg6[%parallel_loop3A_266, %parallel_loop3A_267, %parallel_loop3A_268], %parallel_loop3A_271 {strides = array<i32>} : memref<2x32x1024xf32, #tpu.memory_space<vmem>>, vector<1x1x16xf32>,
        %parallel_loop3A_272 = arith.constant 126 : i32
        %parallel_loop3A_273 = arith.addi %parallel_loop3A_207, %parallel_loop3A_272 : i32
        %parallel_loop3A_274 = arith.index_cast %parallel_loop3A_273 : i32 to index
        %parallel_loop3A_275 = tpu.vector_load %arg5[%parallel_loop3A_274] {strides = array<i32>} : memref<4096xf32, #tpu.memory_space<vmem>>, vector<16xf32>,
        %parallel_loop3A_276 = vector.shape_cast %parallel_loop3A_275 : vector<16xf32> to vector<16xf32>
        %parallel_loop3A_277 = arith.constant 128 : i32
        %parallel_loop3A_278 = arith.muli %parallel_loop3A_277, %parallel_loop3A_203 : i32
        %parallel_loop3A_279 = arith.constant 64 : i32
        %parallel_loop3A_280 = arith.addi %parallel_loop3A_278, %parallel_loop3A_279 : i32
        %parallel_loop3A_281 = arith.constant 0 : i32
        %parallel_loop3A_282 = arith.index_cast %parallel_loop3A_281 : i32 to index
        %parallel_loop3A_283 = arith.index_cast %parallel_loop3A_201 : i32 to index
        %parallel_loop3A_284 = arith.index_cast %parallel_loop3A_280 : i32 to index
        %parallel_loop3A_285 = tpu.vector_load %arg6[%parallel_loop3A_282, %parallel_loop3A_283, %parallel_loop3A_284] {strides = array<i32>} : memref<2x32x1024xf32, #tpu.memory_space<vmem>>, vector<1x1x16xf32>,
        %parallel_loop3A_286 = vector.shape_cast %parallel_loop3A_285 : vector<1x1x16xf32> to vector<16xf32>
        %parallel_loop3A_287 = vector.shape_cast %parallel_loop3A_276 : vector<16xf32> to vector<1x1x16xf32>
        tpu.vector_store %arg6[%parallel_loop3A_282, %parallel_loop3A_283, %parallel_loop3A_284], %parallel_loop3A_287 {strides = array<i32>} : memref<2x32x1024xf32, #tpu.memory_space<vmem>>, vector<1x1x16xf32>,
        %parallel_loop3A_288 = arith.constant 142 : i32
        %parallel_loop3A_289 = arith.addi %parallel_loop3A_207, %parallel_loop3A_288 : i32
        %parallel_loop3A_290 = arith.index_cast %parallel_loop3A_289 : i32 to index
        %parallel_loop3A_291 = tpu.vector_load %arg5[%parallel_loop3A_290] {strides = array<i32>} : memref<4096xf32, #tpu.memory_space<vmem>>, vector<16xf32>,
        %parallel_loop3A_292 = vector.shape_cast %parallel_loop3A_291 : vector<16xf32> to vector<16xf32>
        %parallel_loop3A_293 = arith.constant 128 : i32
        %parallel_loop3A_294 = arith.muli %parallel_loop3A_293, %parallel_loop3A_203 : i32
        %parallel_loop3A_295 = arith.constant 80 : i32
        %parallel_loop3A_296 = arith.addi %parallel_loop3A_294, %parallel_loop3A_295 : i32
        %parallel_loop3A_297 = arith.constant 0 : i32
        %parallel_loop3A_298 = arith.index_cast %parallel_loop3A_297 : i32 to index
        %parallel_loop3A_299 = arith.index_cast %parallel_loop3A_201 : i32 to index
        %parallel_loop3A_300 = arith.index_cast %parallel_loop3A_296 : i32 to index
        %parallel_loop3A_301 = tpu.vector_load %arg6[%parallel_loop3A_298, %parallel_loop3A_299, %parallel_loop3A_300] {strides = array<i32>} : memref<2x32x1024xf32, #tpu.memory_space<vmem>>, vector<1x1x16xf32>,
        %parallel_loop3A_302 = vector.shape_cast %parallel_loop3A_301 : vector<1x1x16xf32> to vector<16xf32>
        %parallel_loop3A_303 = vector.shape_cast %parallel_loop3A_292 : vector<16xf32> to vector<1x1x16xf32>
        tpu.vector_store %arg6[%parallel_loop3A_298, %parallel_loop3A_299, %parallel_loop3A_300], %parallel_loop3A_303 {strides = array<i32>} : memref<2x32x1024xf32, #tpu.memory_space<vmem>>, vector<1x1x16xf32>,
        %parallel_loop3A_304 = arith.constant 189 : i32
        %parallel_loop3A_305 = arith.addi %parallel_loop3A_207, %parallel_loop3A_304 : i32
        %parallel_loop3A_306 = arith.index_cast %parallel_loop3A_305 : i32 to index
        %parallel_loop3A_307 = tpu.vector_load %arg5[%parallel_loop3A_306] {strides = array<i32>} : memref<4096xf32, #tpu.memory_space<vmem>>, vector<16xf32>,
        %parallel_loop3A_308 = vector.shape_cast %parallel_loop3A_307 : vector<16xf32> to vector<16xf32>
        %parallel_loop3A_309 = arith.constant 128 : i32
        %parallel_loop3A_310 = arith.muli %parallel_loop3A_309, %parallel_loop3A_203 : i32
        %parallel_loop3A_311 = arith.constant 96 : i32
        %parallel_loop3A_312 = arith.addi %parallel_loop3A_310, %parallel_loop3A_311 : i32
        %parallel_loop3A_313 = arith.constant 0 : i32
        %parallel_loop3A_314 = arith.index_cast %parallel_loop3A_313 : i32 to index
        %parallel_loop3A_315 = arith.index_cast %parallel_loop3A_201 : i32 to index
        %parallel_loop3A_316 = arith.index_cast %parallel_loop3A_312 : i32 to index
        %parallel_loop3A_317 = tpu.vector_load %arg6[%parallel_loop3A_314, %parallel_loop3A_315, %parallel_loop3A_316] {strides = array<i32>} : memref<2x32x1024xf32, #tpu.memory_space<vmem>>, vector<1x1x16xf32>,
        %parallel_loop3A_318 = vector.shape_cast %parallel_loop3A_317 : vector<1x1x16xf32> to vector<16xf32>
        %parallel_loop3A_319 = vector.shape_cast %parallel_loop3A_308 : vector<16xf32> to vector<1x1x16xf32>
        tpu.vector_store %arg6[%parallel_loop3A_314, %parallel_loop3A_315, %parallel_loop3A_316], %parallel_loop3A_319 {strides = array<i32>} : memref<2x32x1024xf32, #tpu.memory_space<vmem>>, vector<1x1x16xf32>,
        %parallel_loop3A_320 = arith.constant 205 : i32
        %parallel_loop3A_321 = arith.addi %parallel_loop3A_207, %parallel_loop3A_320 : i32
        %parallel_loop3A_322 = arith.index_cast %parallel_loop3A_321 : i32 to index
        %parallel_loop3A_323 = tpu.vector_load %arg5[%parallel_loop3A_322] {strides = array<i32>} : memref<4096xf32, #tpu.memory_space<vmem>>, vector<16xf32>,
        %parallel_loop3A_324 = vector.shape_cast %parallel_loop3A_323 : vector<16xf32> to vector<16xf32>
        %parallel_loop3A_325 = arith.constant 128 : i32
        %parallel_loop3A_326 = arith.muli %parallel_loop3A_325, %parallel_loop3A_203 : i32
        %parallel_loop3A_327 = arith.constant 112 : i32
        %parallel_loop3A_328 = arith.addi %parallel_loop3A_326, %parallel_loop3A_327 : i32
        %parallel_loop3A_329 = arith.constant 0 : i32
        %parallel_loop3A_330 = arith.index_cast %parallel_loop3A_329 : i32 to index
        %parallel_loop3A_331 = arith.index_cast %parallel_loop3A_201 : i32 to index
        %parallel_loop3A_332 = arith.index_cast %parallel_loop3A_328 : i32 to index
        %parallel_loop3A_333 = tpu.vector_load %arg6[%parallel_loop3A_330, %parallel_loop3A_331, %parallel_loop3A_332] {strides = array<i32>} : memref<2x32x1024xf32, #tpu.memory_space<vmem>>, vector<1x1x16xf32>,
        %parallel_loop3A_334 = vector.shape_cast %parallel_loop3A_333 : vector<1x1x16xf32> to vector<16xf32>
        %parallel_loop3A_335 = vector.shape_cast %parallel_loop3A_324 : vector<16xf32> to vector<1x1x16xf32>
        tpu.vector_store %arg6[%parallel_loop3A_330, %parallel_loop3A_331, %parallel_loop3A_332], %parallel_loop3A_335 {strides = array<i32>} : memref<2x32x1024xf32, #tpu.memory_space<vmem>>, vector<1x1x16xf32>,
      } {sc.loop_unroll_factor = 2 : i64, sc.parallel_access}
      %mul3A_136 = arith.constant 32 : i32
      %mul3A_137 = arith.muli %add3A_128, %mul3A_136 : i32
      %dma_start3A_138 = arith.constant 0 : i32
      %dma_start3A_139 = arith.constant 0 : i32
      %dma_start3A_140 = arith.constant 0 : i32
      %dma_start3A_141 = tpu.memref_slice %arg6[%dma_start3A_138, %dma_start3A_139, %dma_start3A_140] : memref<2x32x1024xf32, #tpu.memory_space<vmem>> -> memref<1x32x1024xf32, #tpu.memory_space<vmem>>
      %dma_start3A_142 = tpu.memref_squeeze %dma_start3A_141 : memref<1x32x1024xf32, #tpu.memory_space<vmem>> -> memref<32x1024xf32, #tpu.memory_space<vmem>>
      %dma_start3A_143 = arith.constant 0 : i32
      %dma_start3A_144 = tpu.memref_slice %arg3[%arg1, %mul3A_137, %dma_start3A_143] : memref<16x1024x1024xf32, #tpu.memory_space<hbm>> -> memref<1x32x1024xf32, #tpu.memory_space<hbm>>
      %dma_start3A_145 = tpu.memref_squeeze %dma_start3A_144 : memref<1x32x1024xf32, #tpu.memory_space<hbm>> -> memref<32x1024xf32, #tpu.memory_space<hbm>>
      %dma_start3A_146 = arith.constant 0 : i32
      %dma_start3A_147 = tpu.memref_slice %arg3[%arg1, %mul3A_137, %dma_start3A_146] : memref<16x1024x1024xf32, #tpu.memory_space<hbm>> -> memref<1x32x1024xf32, #tpu.memory_space<hbm>>
      %dma_start3A_148 = tpu.memref_squeeze %dma_start3A_147 : memref<1x32x1024xf32, #tpu.memory_space<hbm>> -> memref<32x1024xf32, #tpu.memory_space<hbm>>
      %dma_start3A_149 = arith.constant 0 : i32
      %dma_start3A_150 = arith.constant 0 : i32
      %dma_start3A_151 = tpu.memref_slice %arg6[%dma_start3A_138, %dma_start3A_149, %dma_start3A_150] : memref<2x32x1024xf32, #tpu.memory_space<vmem>> -> memref<1x32x1024xf32, #tpu.memory_space<vmem>>
      %dma_start3A_152 = tpu.memref_squeeze %dma_start3A_151 : memref<1x32x1024xf32, #tpu.memory_space<vmem>> -> memref<32x1024xf32, #tpu.memory_space<vmem>>
      tpu.enqueue_dma source(%dma_start3A_152 : memref<32x1024xf32, #tpu.memory_space<vmem>>) target(%dma_start3A_148 : memref<32x1024xf32, #tpu.memory_space<hbm>>) target_semaphore(%arg7 : memref<!tpu.dma_semaphore, #tpu.memory_space<semaphore_mem>>)
      %dma_wait3A_153 = arith.constant 1 : i32
      %dma_wait3A_154 = arith.constant 0 : i32
      %dma_wait3A_155 = arith.constant 0 : i32
      %dma_wait3A_156 = tpu.memref_slice %arg6[%dma_wait3A_153, %dma_wait3A_154, %dma_wait3A_155] : memref<2x32x1024xf32, #tpu.memory_space<vmem>> -> memref<1x32x1024xf32, #tpu.memory_space<vmem>>
      %dma_wait3A_157 = tpu.memref_squeeze %dma_wait3A_156 : memref<1x32x1024xf32, #tpu.memory_space<vmem>> -> memref<32x1024xf32, #tpu.memory_space<vmem>>
      %dma_wait3A_158 = arith.constant 0 : i32
      %dma_wait3A_159 = arith.constant 0 : i32
      %dma_wait3A_160 = tpu.memref_slice %arg3[%arg1, %dma_wait3A_158, %dma_wait3A_159] : memref<16x1024x1024xf32, #tpu.memory_space<hbm>> -> memref<1x32x1024xf32, #tpu.memory_space<hbm>>
      %dma_wait3A_161 = tpu.memref_squeeze %dma_wait3A_160 : memref<1x32x1024xf32, #tpu.memory_space<hbm>> -> memref<32x1024xf32, #tpu.memory_space<hbm>>
      %dma_wait3A_162 = arith.constant 0 : i32
      %dma_wait3A_163 = arith.constant 0 : i32
      %dma_wait3A_164 = tpu.memref_slice %arg3[%arg1, %dma_wait3A_162, %dma_wait3A_163] : memref<16x1024x1024xf32, #tpu.memory_space<hbm>> -> memref<1x32x1024xf32, #tpu.memory_space<hbm>>
      %dma_wait3A_165 = tpu.memref_squeeze %dma_wait3A_164 : memref<1x32x1024xf32, #tpu.memory_space<hbm>> -> memref<32x1024xf32, #tpu.memory_space<hbm>>
      %dma_wait3A_166 = arith.constant 0 : i32
      %dma_wait3A_167 = arith.constant 0 : i32
      %dma_wait3A_168 = tpu.memref_slice %arg6[%dma_wait3A_153, %dma_wait3A_166, %dma_wait3A_167] : memref<2x32x1024xf32, #tpu.memory_space<vmem>> -> memref<1x32x1024xf32, #tpu.memory_space<vmem>>
      %dma_wait3A_169 = tpu.memref_squeeze %dma_wait3A_168 : memref<1x32x1024xf32, #tpu.memory_space<vmem>> -> memref<32x1024xf32, #tpu.memory_space<vmem>>
      tpu.wait_dma2 semaphore(%arg8 : memref<!tpu.dma_semaphore, #tpu.memory_space<semaphore_mem>>) src(%dma_wait3A_169 : memref<32x1024xf32, #tpu.memory_space<vmem>>) dst(%dma_wait3A_165 : memref<32x1024xf32, #tpu.memory_space<hbm>>)
      %add3A_170 = arith.constant 1 : i32
      %add3A_171 = arith.addi %mul3A_106, %add3A_170 : i32
      %mul3A_172 = arith.constant 16 : i32
      %mul3A_173 = arith.muli %mul3A_172, %arg0 : i32
      %add3A_174 = arith.addi %mul3A_173, %add3A_171 : i32
      %mul3A_175 = arith.constant 63 : i32
      %mul3A_176 = arith.muli %mul3A_175, %add3A_174 : i32
      %sub3A_177 = arith.constant 1984 : i32
      %sub3A_178 = arith.subi %sub3A_177, %mul3A_176 : i32
      %parallel_loop3A_179 = arith.constant 0 : i32
      %parallel_loop3A_180 = arith.constant 256 : i32
      %parallel_loop3A_181 = arith.constant 1 : i32
      scf.for %parallel_loop3A_199 = %parallel_loop3A_179 to %parallel_loop3A_180 step %parallel_loop3A_181  : i32 {
        %parallel_loop3A_200 = arith.constant 3 : i32
        %parallel_loop3A_201 = arith.shrsi %parallel_loop3A_199, %parallel_loop3A_200 : i32
        %parallel_loop3A_202 = arith.constant 7 : i32
        %parallel_loop3A_203 = arith.andi %parallel_loop3A_199, %parallel_loop3A_202 : i32
        %parallel_loop3A_204 = arith.subi %sub3A_178, %parallel_loop3A_201 : i32
        %parallel_loop3A_205 = arith.constant 252 : i32
        %parallel_loop3A_206 = arith.muli %parallel_loop3A_205, %parallel_loop3A_203 : i32
        %parallel_loop3A_207 = arith.addi %parallel_loop3A_204, %parallel_loop3A_206 : i32
        %parallel_loop3A_208 = arith.constant 0 : i32
        %parallel_loop3A_209 = arith.addi %parallel_loop3A_207, %parallel_loop3A_208 : i32
        %parallel_loop3A_210 = arith.index_cast %parallel_loop3A_209 : i32 to index
        %parallel_loop3A_211 = tpu.vector_load %arg5[%parallel_loop3A_210] {strides = array<i32>} : memref<4096xf32, #tpu.memory_space<vmem>>, vector<16xf32>,
        %parallel_loop3A_212 = vector.shape_cast %parallel_loop3A_211 : vector<16xf32> to vector<16xf32>
        %parallel_loop3A_213 = arith.constant 128 : i32
        %parallel_loop3A_214 = arith.muli %parallel_loop3A_213, %parallel_loop3A_203 : i32
        %parallel_loop3A_215 = arith.constant 0 : i32
        %parallel_loop3A_216 = arith.addi %parallel_loop3A_214, %parallel_loop3A_215 : i32
        %parallel_loop3A_217 = arith.constant 1 : i32
        %parallel_loop3A_218 = arith.index_cast %parallel_loop3A_217 : i32 to index
        %parallel_loop3A_219 = arith.index_cast %parallel_loop3A_201 : i32 to index
        %parallel_loop3A_220 = arith.index_cast %parallel_loop3A_216 : i32 to index
        %parallel_loop3A_221 = tpu.vector_load %arg6[%parallel_loop3A_218, %parallel_loop3A_219, %parallel_loop3A_220] {strides = array<i32>} : memref<2x32x1024xf32, #tpu.memory_space<vmem>>, vector<1x1x16xf32>,
        %parallel_loop3A_222 = vector.shape_cast %parallel_loop3A_221 : vector<1x1x16xf32> to vector<16xf32>
        %parallel_loop3A_223 = vector.shape_cast %parallel_loop3A_212 : vector<16xf32> to vector<1x1x16xf32>
        tpu.vector_store %arg6[%parallel_loop3A_218, %parallel_loop3A_219, %parallel_loop3A_220], %parallel_loop3A_223 {strides = array<i32>} : memref<2x32x1024xf32, #tpu.memory_space<vmem>>, vector<1x1x16xf32>,
        %parallel_loop3A_224 = arith.constant 16 : i32
        %parallel_loop3A_225 = arith.addi %parallel_loop3A_207, %parallel_loop3A_224 : i32
        %parallel_loop3A_226 = arith.index_cast %parallel_loop3A_225 : i32 to index
        %parallel_loop3A_227 = tpu.vector_load %arg5[%parallel_loop3A_226] {strides = array<i32>} : memref<4096xf32, #tpu.memory_space<vmem>>, vector<16xf32>,
        %parallel_loop3A_228 = vector.shape_cast %parallel_loop3A_227 : vector<16xf32> to vector<16xf32>
        %parallel_loop3A_229 = arith.constant 128 : i32
        %parallel_loop3A_230 = arith.muli %parallel_loop3A_229, %parallel_loop3A_203 : i32
        %parallel_loop3A_231 = arith.constant 16 : i32
        %parallel_loop3A_232 = arith.addi %parallel_loop3A_230, %parallel_loop3A_231 : i32
        %parallel_loop3A_233 = arith.constant 1 : i32
        %parallel_loop3A_234 = arith.index_cast %parallel_loop3A_233 : i32 to index
        %parallel_loop3A_235 = arith.index_cast %parallel_loop3A_201 : i32 to index
        %parallel_loop3A_236 = arith.index_cast %parallel_loop3A_232 : i32 to index
        %parallel_loop3A_237 = tpu.vector_load %arg6[%parallel_loop3A_234, %parallel_loop3A_235, %parallel_loop3A_236] {strides = array<i32>} : memref<2x32x1024xf32, #tpu.memory_space<vmem>>, vector<1x1x16xf32>,
        %parallel_loop3A_238 = vector.shape_cast %parallel_loop3A_237 : vector<1x1x16xf32> to vector<16xf32>
        %parallel_loop3A_239 = vector.shape_cast %parallel_loop3A_228 : vector<16xf32> to vector<1x1x16xf32>
        tpu.vector_store %arg6[%parallel_loop3A_234, %parallel_loop3A_235, %parallel_loop3A_236], %parallel_loop3A_239 {strides = array<i32>} : memref<2x32x1024xf32, #tpu.memory_space<vmem>>, vector<1x1x16xf32>,
        %parallel_loop3A_240 = arith.constant 63 : i32
        %parallel_loop3A_241 = arith.addi %parallel_loop3A_207, %parallel_loop3A_240 : i32
        %parallel_loop3A_242 = arith.index_cast %parallel_loop3A_241 : i32 to index
        %parallel_loop3A_243 = tpu.vector_load %arg5[%parallel_loop3A_242] {strides = array<i32>} : memref<4096xf32, #tpu.memory_space<vmem>>, vector<16xf32>,
        %parallel_loop3A_244 = vector.shape_cast %parallel_loop3A_243 : vector<16xf32> to vector<16xf32>
        %parallel_loop3A_245 = arith.constant 128 : i32
        %parallel_loop3A_246 = arith.muli %parallel_loop3A_245, %parallel_loop3A_203 : i32
        %parallel_loop3A_247 = arith.constant 32 : i32
        %parallel_loop3A_248 = arith.addi %parallel_loop3A_246, %parallel_loop3A_247 : i32
        %parallel_loop3A_249 = arith.constant 1 : i32
        %parallel_loop3A_250 = arith.index_cast %parallel_loop3A_249 : i32 to index
        %parallel_loop3A_251 = arith.index_cast %parallel_loop3A_201 : i32 to index
        %parallel_loop3A_252 = arith.index_cast %parallel_loop3A_248 : i32 to index
        %parallel_loop3A_253 = tpu.vector_load %arg6[%parallel_loop3A_250, %parallel_loop3A_251, %parallel_loop3A_252] {strides = array<i32>} : memref<2x32x1024xf32, #tpu.memory_space<vmem>>, vector<1x1x16xf32>,
        %parallel_loop3A_254 = vector.shape_cast %parallel_loop3A_253 : vector<1x1x16xf32> to vector<16xf32>
        %parallel_loop3A_255 = vector.shape_cast %parallel_loop3A_244 : vector<16xf32> to vector<1x1x16xf32>
        tpu.vector_store %arg6[%parallel_loop3A_250, %parallel_loop3A_251, %parallel_loop3A_252], %parallel_loop3A_255 {strides = array<i32>} : memref<2x32x1024xf32, #tpu.memory_space<vmem>>, vector<1x1x16xf32>,
        %parallel_loop3A_256 = arith.constant 79 : i32
        %parallel_loop3A_257 = arith.addi %parallel_loop3A_207, %parallel_loop3A_256 : i32
        %parallel_loop3A_258 = arith.index_cast %parallel_loop3A_257 : i32 to index
        %parallel_loop3A_259 = tpu.vector_load %arg5[%parallel_loop3A_258] {strides = array<i32>} : memref<4096xf32, #tpu.memory_space<vmem>>, vector<16xf32>,
        %parallel_loop3A_260 = vector.shape_cast %parallel_loop3A_259 : vector<16xf32> to vector<16xf32>
        %parallel_loop3A_261 = arith.constant 128 : i32
        %parallel_loop3A_262 = arith.muli %parallel_loop3A_261, %parallel_loop3A_203 : i32
        %parallel_loop3A_263 = arith.constant 48 : i32
        %parallel_loop3A_264 = arith.addi %parallel_loop3A_262, %parallel_loop3A_263 : i32
        %parallel_loop3A_265 = arith.constant 1 : i32
        %parallel_loop3A_266 = arith.index_cast %parallel_loop3A_265 : i32 to index
        %parallel_loop3A_267 = arith.index_cast %parallel_loop3A_201 : i32 to index
        %parallel_loop3A_268 = arith.index_cast %parallel_loop3A_264 : i32 to index
        %parallel_loop3A_269 = tpu.vector_load %arg6[%parallel_loop3A_266, %parallel_loop3A_267, %parallel_loop3A_268] {strides = array<i32>} : memref<2x32x1024xf32, #tpu.memory_space<vmem>>, vector<1x1x16xf32>,
        %parallel_loop3A_270 = vector.shape_cast %parallel_loop3A_269 : vector<1x1x16xf32> to vector<16xf32>
        %parallel_loop3A_271 = vector.shape_cast %parallel_loop3A_260 : vector<16xf32> to vector<1x1x16xf32>
        tpu.vector_store %arg6[%parallel_loop3A_266, %parallel_loop3A_267, %parallel_loop3A_268], %parallel_loop3A_271 {strides = array<i32>} : memref<2x32x1024xf32, #tpu.memory_space<vmem>>, vector<1x1x16xf32>,
        %parallel_loop3A_272 = arith.constant 126 : i32
        %parallel_loop3A_273 = arith.addi %parallel_loop3A_207, %parallel_loop3A_272 : i32
        %parallel_loop3A_274 = arith.index_cast %parallel_loop3A_273 : i32 to index
        %parallel_loop3A_275 = tpu.vector_load %arg5[%parallel_loop3A_274] {strides = array<i32>} : memref<4096xf32, #tpu.memory_space<vmem>>, vector<16xf32>,
        %parallel_loop3A_276 = vector.shape_cast %parallel_loop3A_275 : vector<16xf32> to vector<16xf32>
        %parallel_loop3A_277 = arith.constant 128 : i32
        %parallel_loop3A_278 = arith.muli %parallel_loop3A_277, %parallel_loop3A_203 : i32
        %parallel_loop3A_279 = arith.constant 64 : i32
        %parallel_loop3A_280 = arith.addi %parallel_loop3A_278, %parallel_loop3A_279 : i32
        %parallel_loop3A_281 = arith.constant 1 : i32
        %parallel_loop3A_282 = arith.index_cast %parallel_loop3A_281 : i32 to index
        %parallel_loop3A_283 = arith.index_cast %parallel_loop3A_201 : i32 to index
        %parallel_loop3A_284 = arith.index_cast %parallel_loop3A_280 : i32 to index
        %parallel_loop3A_285 = tpu.vector_load %arg6[%parallel_loop3A_282, %parallel_loop3A_283, %parallel_loop3A_284] {strides = array<i32>} : memref<2x32x1024xf32, #tpu.memory_space<vmem>>, vector<1x1x16xf32>,
        %parallel_loop3A_286 = vector.shape_cast %parallel_loop3A_285 : vector<1x1x16xf32> to vector<16xf32>
        %parallel_loop3A_287 = vector.shape_cast %parallel_loop3A_276 : vector<16xf32> to vector<1x1x16xf32>
        tpu.vector_store %arg6[%parallel_loop3A_282, %parallel_loop3A_283, %parallel_loop3A_284], %parallel_loop3A_287 {strides = array<i32>} : memref<2x32x1024xf32, #tpu.memory_space<vmem>>, vector<1x1x16xf32>,
        %parallel_loop3A_288 = arith.constant 142 : i32
        %parallel_loop3A_289 = arith.addi %parallel_loop3A_207, %parallel_loop3A_288 : i32
        %parallel_loop3A_290 = arith.index_cast %parallel_loop3A_289 : i32 to index
        %parallel_loop3A_291 = tpu.vector_load %arg5[%parallel_loop3A_290] {strides = array<i32>} : memref<4096xf32, #tpu.memory_space<vmem>>, vector<16xf32>,
        %parallel_loop3A_292 = vector.shape_cast %parallel_loop3A_291 : vector<16xf32> to vector<16xf32>
        %parallel_loop3A_293 = arith.constant 128 : i32
        %parallel_loop3A_294 = arith.muli %parallel_loop3A_293, %parallel_loop3A_203 : i32
        %parallel_loop3A_295 = arith.constant 80 : i32
        %parallel_loop3A_296 = arith.addi %parallel_loop3A_294, %parallel_loop3A_295 : i32
        %parallel_loop3A_297 = arith.constant 1 : i32
        %parallel_loop3A_298 = arith.index_cast %parallel_loop3A_297 : i32 to index
        %parallel_loop3A_299 = arith.index_cast %parallel_loop3A_201 : i32 to index
        %parallel_loop3A_300 = arith.index_cast %parallel_loop3A_296 : i32 to index
        %parallel_loop3A_301 = tpu.vector_load %arg6[%parallel_loop3A_298, %parallel_loop3A_299, %parallel_loop3A_300] {strides = array<i32>} : memref<2x32x1024xf32, #tpu.memory_space<vmem>>, vector<1x1x16xf32>,
        %parallel_loop3A_302 = vector.shape_cast %parallel_loop3A_301 : vector<1x1x16xf32> to vector<16xf32>
        %parallel_loop3A_303 = vector.shape_cast %parallel_loop3A_292 : vector<16xf32> to vector<1x1x16xf32>
        tpu.vector_store %arg6[%parallel_loop3A_298, %parallel_loop3A_299, %parallel_loop3A_300], %parallel_loop3A_303 {strides = array<i32>} : memref<2x32x1024xf32, #tpu.memory_space<vmem>>, vector<1x1x16xf32>,
        %parallel_loop3A_304 = arith.constant 189 : i32
        %parallel_loop3A_305 = arith.addi %parallel_loop3A_207, %parallel_loop3A_304 : i32
        %parallel_loop3A_306 = arith.index_cast %parallel_loop3A_305 : i32 to index
        %parallel_loop3A_307 = tpu.vector_load %arg5[%parallel_loop3A_306] {strides = array<i32>} : memref<4096xf32, #tpu.memory_space<vmem>>, vector<16xf32>,
        %parallel_loop3A_308 = vector.shape_cast %parallel_loop3A_307 : vector<16xf32> to vector<16xf32>
        %parallel_loop3A_309 = arith.constant 128 : i32
        %parallel_loop3A_310 = arith.muli %parallel_loop3A_309, %parallel_loop3A_203 : i32
        %parallel_loop3A_311 = arith.constant 96 : i32
        %parallel_loop3A_312 = arith.addi %parallel_loop3A_310, %parallel_loop3A_311 : i32
        %parallel_loop3A_313 = arith.constant 1 : i32
        %parallel_loop3A_314 = arith.index_cast %parallel_loop3A_313 : i32 to index
        %parallel_loop3A_315 = arith.index_cast %parallel_loop3A_201 : i32 to index
        %parallel_loop3A_316 = arith.index_cast %parallel_loop3A_312 : i32 to index
        %parallel_loop3A_317 = tpu.vector_load %arg6[%parallel_loop3A_314, %parallel_loop3A_315, %parallel_loop3A_316] {strides = array<i32>} : memref<2x32x1024xf32, #tpu.memory_space<vmem>>, vector<1x1x16xf32>,
        %parallel_loop3A_318 = vector.shape_cast %parallel_loop3A_317 : vector<1x1x16xf32> to vector<16xf32>
        %parallel_loop3A_319 = vector.shape_cast %parallel_loop3A_308 : vector<16xf32> to vector<1x1x16xf32>
        tpu.vector_store %arg6[%parallel_loop3A_314, %parallel_loop3A_315, %parallel_loop3A_316], %parallel_loop3A_319 {strides = array<i32>} : memref<2x32x1024xf32, #tpu.memory_space<vmem>>, vector<1x1x16xf32>,
        %parallel_loop3A_320 = arith.constant 205 : i32
        %parallel_loop3A_321 = arith.addi %parallel_loop3A_207, %parallel_loop3A_320 : i32
        %parallel_loop3A_322 = arith.index_cast %parallel_loop3A_321 : i32 to index
        %parallel_loop3A_323 = tpu.vector_load %arg5[%parallel_loop3A_322] {strides = array<i32>} : memref<4096xf32, #tpu.memory_space<vmem>>, vector<16xf32>,
        %parallel_loop3A_324 = vector.shape_cast %parallel_loop3A_323 : vector<16xf32> to vector<16xf32>
        %parallel_loop3A_325 = arith.constant 128 : i32
        %parallel_loop3A_326 = arith.muli %parallel_loop3A_325, %parallel_loop3A_203 : i32
        %parallel_loop3A_327 = arith.constant 112 : i32
        %parallel_loop3A_328 = arith.addi %parallel_loop3A_326, %parallel_loop3A_327 : i32
        %parallel_loop3A_329 = arith.constant 1 : i32
        %parallel_loop3A_330 = arith.index_cast %parallel_loop3A_329 : i32 to index
        %parallel_loop3A_331 = arith.index_cast %parallel_loop3A_201 : i32 to index
        %parallel_loop3A_332 = arith.index_cast %parallel_loop3A_328 : i32 to index
        %parallel_loop3A_333 = tpu.vector_load %arg6[%parallel_loop3A_330, %parallel_loop3A_331, %parallel_loop3A_332] {strides = array<i32>} : memref<2x32x1024xf32, #tpu.memory_space<vmem>>, vector<1x1x16xf32>,
        %parallel_loop3A_334 = vector.shape_cast %parallel_loop3A_333 : vector<1x1x16xf32> to vector<16xf32>
        %parallel_loop3A_335 = vector.shape_cast %parallel_loop3A_324 : vector<16xf32> to vector<1x1x16xf32>
        tpu.vector_store %arg6[%parallel_loop3A_330, %parallel_loop3A_331, %parallel_loop3A_332], %parallel_loop3A_335 {strides = array<i32>} : memref<2x32x1024xf32, #tpu.memory_space<vmem>>, vector<1x1x16xf32>,
      } {sc.loop_unroll_factor = 2 : i64, sc.parallel_access}
      %mul3A_182 = arith.constant 32 : i32
      %mul3A_183 = arith.muli %add3A_174, %mul3A_182 : i32
      %dma_start3A_184 = arith.constant 1 : i32
      %dma_start3A_185 = arith.constant 0 : i32
      %dma_start3A_186 = arith.constant 0 : i32
      %dma_start3A_187 = tpu.memref_slice %arg6[%dma_start3A_184, %dma_start3A_185, %dma_start3A_186] : memref<2x32x1024xf32, #tpu.memory_space<vmem>> -> memref<1x32x1024xf32, #tpu.memory_space<vmem>>
      %dma_start3A_188 = tpu.memref_squeeze %dma_start3A_187 : memref<1x32x1024xf32, #tpu.memory_space<vmem>> -> memref<32x1024xf32, #tpu.memory_space<vmem>>
      %dma_start3A_189 = arith.constant 0 : i32
      %dma_start3A_190 = tpu.memref_slice %arg3[%arg1, %mul3A_183, %dma_start3A_189] : memref<16x1024x1024xf32, #tpu.memory_space<hbm>> -> memref<1x32x1024xf32, #tpu.memory_space<hbm>>
      %dma_start3A_191 = tpu.memref_squeeze %dma_start3A_190 : memref<1x32x1024xf32, #tpu.memory_space<hbm>> -> memref<32x1024xf32, #tpu.memory_space<hbm>>
      %dma_start3A_192 = arith.constant 0 : i32
      %dma_start3A_193 = tpu.memref_slice %arg3[%arg1, %mul3A_183, %dma_start3A_192] : memref<16x1024x1024xf32, #tpu.memory_space<hbm>> -> memref<1x32x1024xf32, #tpu.memory_space<hbm>>
      %dma_start3A_194 = tpu.memref_squeeze %dma_start3A_193 : memref<1x32x1024xf32, #tpu.memory_space<hbm>> -> memref<32x1024xf32, #tpu.memory_space<hbm>>
      %dma_start3A_195 = arith.constant 0 : i32
      %dma_start3A_196 = arith.constant 0 : i32
      %dma_start3A_197 = tpu.memref_slice %arg6[%dma_start3A_184, %dma_start3A_195, %dma_start3A_196] : memref<2x32x1024xf32, #tpu.memory_space<vmem>> -> memref<1x32x1024xf32, #tpu.memory_space<vmem>>
      %dma_start3A_198 = tpu.memref_squeeze %dma_start3A_197 : memref<1x32x1024xf32, #tpu.memory_space<vmem>> -> memref<32x1024xf32, #tpu.memory_space<vmem>>
      tpu.enqueue_dma source(%dma_start3A_198 : memref<32x1024xf32, #tpu.memory_space<vmem>>) target(%dma_start3A_194 : memref<32x1024xf32, #tpu.memory_space<hbm>>) target_semaphore(%arg8 : memref<!tpu.dma_semaphore, #tpu.memory_space<semaphore_mem>>)
    }
    %scan3A_70 = arith.constant 7 : i32
    %dma_wait3A = arith.constant 0 : i32
    %dma_wait3A_71 = arith.constant 0 : i32
    %dma_wait3A_72 = arith.constant 0 : i32
    %dma_wait3A_73 = tpu.memref_slice %arg6[%dma_wait3A, %dma_wait3A_71, %dma_wait3A_72] : memref<2x32x1024xf32, #tpu.memory_space<vmem>> -> memref<1x32x1024xf32, #tpu.memory_space<vmem>>
    %dma_wait3A_74 = tpu.memref_squeeze %dma_wait3A_73 : memref<1x32x1024xf32, #tpu.memory_space<vmem>> -> memref<32x1024xf32, #tpu.memory_space<vmem>>
    %dma_wait3A_75 = arith.constant 0 : i32
    %dma_wait3A_76 = arith.constant 0 : i32
    %dma_wait3A_77 = tpu.memref_slice %arg3[%arg1, %dma_wait3A_75, %dma_wait3A_76] : memref<16x1024x1024xf32, #tpu.memory_space<hbm>> -> memref<1x32x1024xf32, #tpu.memory_space<hbm>>
    %dma_wait3A_78 = tpu.memref_squeeze %dma_wait3A_77 : memref<1x32x1024xf32, #tpu.memory_space<hbm>> -> memref<32x1024xf32, #tpu.memory_space<hbm>>
    %dma_wait3A_79 = arith.constant 0 : i32
    %dma_wait3A_80 = arith.constant 0 : i32
    %dma_wait3A_81 = tpu.memref_slice %arg3[%arg1, %dma_wait3A_79, %dma_wait3A_80] : memref<16x1024x1024xf32, #tpu.memory_space<hbm>> -> memref<1x32x1024xf32, #tpu.memory_space<hbm>>
    %dma_wait3A_82 = tpu.memref_squeeze %dma_wait3A_81 : memref<1x32x1024xf32, #tpu.memory_space<hbm>> -> memref<32x1024xf32, #tpu.memory_space<hbm>>
    %dma_wait3A_83 = arith.constant 0 : i32
    %dma_wait3A_84 = arith.constant 0 : i32
    %dma_wait3A_85 = tpu.memref_slice %arg6[%dma_wait3A, %dma_wait3A_83, %dma_wait3A_84] : memref<2x32x1024xf32, #tpu.memory_space<vmem>> -> memref<1x32x1024xf32, #tpu.memory_space<vmem>>
    %dma_wait3A_86 = tpu.memref_squeeze %dma_wait3A_85 : memref<1x32x1024xf32, #tpu.memory_space<vmem>> -> memref<32x1024xf32, #tpu.memory_space<vmem>>
    tpu.wait_dma2 semaphore(%arg7 : memref<!tpu.dma_semaphore, #tpu.memory_space<semaphore_mem>>) src(%dma_wait3A_86 : memref<32x1024xf32, #tpu.memory_space<vmem>>) dst(%dma_wait3A_82 : memref<32x1024xf32, #tpu.memory_space<hbm>>)
    %dma_wait3A_87 = arith.constant 1 : i32
    %dma_wait3A_88 = arith.constant 0 : i32
    %dma_wait3A_89 = arith.constant 0 : i32
    %dma_wait3A_90 = tpu.memref_slice %arg6[%dma_wait3A_87, %dma_wait3A_88, %dma_wait3A_89] : memref<2x32x1024xf32, #tpu.memory_space<vmem>> -> memref<1x32x1024xf32, #tpu.memory_space<vmem>>
    %dma_wait3A_91 = tpu.memref_squeeze %dma_wait3A_90 : memref<1x32x1024xf32, #tpu.memory_space<vmem>> -> memref<32x1024xf32, #tpu.memory_space<vmem>>
    %dma_wait3A_92 = arith.constant 0 : i32
    %dma_wait3A_93 = arith.constant 0 : i32
    %dma_wait3A_94 = tpu.memref_slice %arg3[%arg1, %dma_wait3A_92, %dma_wait3A_93] : memref<16x1024x1024xf32, #tpu.memory_space<hbm>> -> memref<1x32x1024xf32, #tpu.memory_space<hbm>>
    %dma_wait3A_95 = tpu.memref_squeeze %dma_wait3A_94 : memref<1x32x1024xf32, #tpu.memory_space<hbm>> -> memref<32x1024xf32, #tpu.memory_space<hbm>>
    %dma_wait3A_96 = arith.constant 0 : i32
    %dma_wait3A_97 = arith.constant 0 : i32
    %dma_wait3A_98 = tpu.memref_slice %arg3[%arg1, %dma_wait3A_96, %dma_wait3A_97] : memref<16x1024x1024xf32, #tpu.memory_space<hbm>> -> memref<1x32x1024xf32, #tpu.memory_space<hbm>>
    %dma_wait3A_99 = tpu.memref_squeeze %dma_wait3A_98 : memref<1x32x1024xf32, #tpu.memory_space<hbm>> -> memref<32x1024xf32, #tpu.memory_space<hbm>>
    %dma_wait3A_100 = arith.constant 0 : i32
    %dma_wait3A_101 = arith.constant 0 : i32
    %dma_wait3A_102 = tpu.memref_slice %arg6[%dma_wait3A_87, %dma_wait3A_100, %dma_wait3A_101] : memref<2x32x1024xf32, #tpu.memory_space<vmem>> -> memref<1x32x1024xf32, #tpu.memory_space<vmem>>
    %dma_wait3A_103 = tpu.memref_squeeze %dma_wait3A_102 : memref<1x32x1024xf32, #tpu.memory_space<vmem>> -> memref<32x1024xf32, #tpu.memory_space<vmem>>
    tpu.wait_dma2 semaphore(%arg8 : memref<!tpu.dma_semaphore, #tpu.memory_space<semaphore_mem>>) src(%dma_wait3A_103 : memref<32x1024xf32, #tpu.memory_space<vmem>>) dst(%dma_wait3A_99 : memref<32x1024xf32, #tpu.memory_space<hbm>>)
    return
  }
}

</mosaic_0001>

<sc_bundles>
// kernel: kernel.3.cloned.1.call-start
scs
__scs_entry_jumppad:
0x0: {  	(pc) =	sbr.rel $0x88, $3  }
0x1: {  	(tag) =	ssettag $0x0;
	lr =	simm.s32 $0x1  }
0x2: {  	[smem:$0x3FA0] =	sst lr;
	_ =	strace $0xD0000000  }
0x3: {  	_ = 	snop  }
0x4: {  	_ = 	snop  }
0x5: {  	_ = 	snop  }
0x6: {  	_ = 	snop  }
0x7: {  	_ = 	snop  }
__scs_overlays_trampoline_lowered:
0x8: {  	[smem:$0x3FAF] =	sst s0  }
0x9: {  	[smem:$0x3FB0] =	sst s1  }
0xa: {  	[smem:$0x3FB1] =	sst s2  }
0xb: {  	[smem:$0x3FB2] =	sst s3  }
0xc: {  	[smem:$0x3FB3] =	sst s4  }
0xd: {  	[smem:$0x3FB4] =	sst s5  }
0xe: {  	[smem:$0x3FB5] =	sst s6  }
0xf: {  	[smem:$0x3FB6] =	sst s7  }
0x10: {  	[smem:$0x3FB7] =	sst s8  }
0x11: {  	[smem:$0x3FB8] =	sst s9;
	s0 =	simm.s32 @!p0 $0x0  }
0x12: {  	s1 =	sld [smem:$0x3F9E];
	s0 =	simm.s32 @p0 $0x1  }
0x13: {  	[smem:$0x3FB9] =	sst s0;
	s0 =	simm.s32 @!p1 $0x0  }
0x14: {  	s2 =	sld [smem:$0x3F9D];
	s0 =	simm.s32 @p1 $0x1  }
0x15: {  	[smem:$0x3FBA] =	sst s0;
	s0 =	simm.s32 @!p2 $0x0  }
0x16: {  	s3 =	sld [smem:$0x3FDB];
	s0 =	simm.s32 @p2 $0x1  }
0x17: {  	s4 =	simm.s32 $0x1BF5;
	[smem:$0x3FBC] =	sst s0  }
0x18: {  	s0 =	sld [smem:$0x3F9F];
	_ =	swait.ge [sflag:s4], $0x0  }
0x19: {  	s7 =	sld [smem:$0x3FA0]  }
0x1a: {  	s8 =	sadd.s32 $0xFFFFE003, lr  }
0x1b: {  	s9 =	sadd.s32 $0xFFFFFEF7, lr;
	s5 =	simm.s32 $0xFFFFFFFF;
	p2 =	slt.u32 s8, $0xFFFFF086  }
0x1c: {  	p1 =	slt.u32 s9, $0xF7A;
	s5 =	simm.s32 @!p2 $0x0  }
0x1d: {  	s5 =	simm.s32 @p1 $0x1;
	p0 =	seq.s32 s7, s2  }
0x1e: {  	s7 =	smul.u32 @!p0 $0xF7A, s2;
	p2 =	seq.s32 @!p0 s5, $0x0  }
0x1f: {  	s9 =	smul.u32 $0xF7A, s1;
	s8 =	simm.s32 @!p0 $0x1BF5;
	p2 =	por !p2, p0  }
0x20: {  	[sflag:s8] =	ssyncset.s32 @!p0 $0xFFFFF086;
	s6 =	sadd.s32 @!p0 s3, s7;
	s7 =	simm.s32 @!p0 $0x108  }
0x21: {  	s3 =	sadd.s32 s3, s9;
	s6 =	sadd.s32 @!p0 $0x88, s6;
	s7 =	simm.s32 @p2 $0x1082  }
0x22: {  	[simem:s7], [sflag:s8] =	dma.local @!p0 [hbm:s6], $0xF7A  }
0x23: {  	s9 =	sor.u32 $0xD0000000, s2;
	s6 =	simm.s32 $0x108;
	_ =	swait.ge @!p0 [sflag:s8], $0x0  }
0x24: {  	s3 =	sadd.s32 $0x88, s3;
	s6 =	simm.s32 @!p1 $0x1082;
	[sflag:s4] =	ssyncset.s32 $0xFFFFF086  }
0x25: {  	[simem:s6], [sflag:s4] =	dma.local [hbm:s3], $0xF7A  }
0x26: {  	[smem:$0x3FA0] =	sst s1;
	(tag) =	ssettag s2;
	_ =	strace s9  }
0x27: {  	s1 =	sld [smem:$0x3FB0]  }
0x28: {  	s2 =	sld [smem:$0x3FB1]  }
0x29: {  	s4 =	sld [smem:$0x3FB3]  }
0x2a: {  	p0 =	seq.s32 s5, $0x0;
	s5 =	sld [smem:$0x3FB4]  }
0x2b: {  	s6 =	sld [smem:$0x3FB5]  }
0x2c: {  	s7 =	sld [smem:$0x3FB6]  }
0x2d: {  	s3 =	simm.s32 $0x108;
	s8 =	sld [smem:$0x3FB7]  }
0x2e: {  	s3 =	simm.s32 @!p0 $0x1082;
	s9 =	sld [smem:$0x3FB8]  }
0x2f: {  	lr =	sadd.s32 s0, s3;
	s0 =	sld [smem:$0x3FAF]  }
0x30: {  	s3 =	sld [smem:$0x3FB2]  }
0x31: {  	[smem:$0x3FBB] =	sst s10  }
0x32: {  	s10 =	sld [smem:$0x3FB9];
	_ =	sdelay $0x3  }
0x33: {  	p0 =	seq.s32 s10, $0x1;
	s10 =	sld [smem:$0x3FBB];
	_ =	sdelay $0x3  }
0x34: {  	[smem:$0x3FBB] =	sst s10  }
0x35: {  	s10 =	sld [smem:$0x3FBA];
	_ =	sdelay $0x3  }
0x36: {  	p1 =	seq.s32 s10, $0x1;
	s10 =	sld [smem:$0x3FBB];
	_ =	sdelay $0x3  }
0x37: {  	[smem:$0x3FBB] =	sst s10  }
0x38: {  	s10 =	sld [smem:$0x3FBC]  }
0x39: {  	_ = 	snop;
	(pc) =	sbr.ind lr, $3  }
0x3a: {  	_ = 	snop  }
0x3b: {  	_ = 	snop  }
0x3c: {  	p2 =	seq.s32 s10, $0x1;
	s10 =	sld [smem:$0x3FBB]  }
0x3d: {  	_ =	shalt  }
0x3e: {  	_ =	shalt  }
0x3f: {  	_ =	shalt  }
0x40: {  	_ =	shalt  }
0x41: {  	_ =	shalt  }
0x42: {  	_ =	shalt  }
0x43: {  	_ =	shalt  }
0x44: {  	_ =	shalt  }
0x45: {  	_ =	shalt  }
0x46: {  	_ =	shalt  }
0x47: {  	_ =	shalt  }
0x48: {  	_ =	shalt  }
0x49: {  	_ =	shalt  }
0x4a: {  	_ =	shalt  }
0x4b: {  	_ =	shalt  }
0x4c: {  	_ =	shalt  }
0x4d: {  	_ =	shalt  }
0x4e: {  	_ =	shalt  }
0x4f: {  	_ =	shalt  }
0x50: {  	_ =	shalt  }
0x51: {  	_ =	shalt  }
0x52: {  	_ =	shalt  }
0x53: {  	_ =	shalt  }
0x54: {  	_ =	shalt  }
0x55: {  	_ =	shalt  }
0x56: {  	_ =	shalt  }
0x57: {  	_ =	shalt  }
0x58: {  	_ =	shalt  }
0x59: {  	_ =	shalt  }
0x5a: {  	_ =	shalt  }
0x5b: {  	_ =	shalt  }
0x5c: {  	_ =	shalt  }
0x5d: {  	_ =	shalt  }
0x5e: {  	_ =	shalt  }
0x5f: {  	_ =	shalt  }
0x60: {  	_ =	shalt  }
0x61: {  	_ =	shalt  }
0x62: {  	_ =	shalt  }
0x63: {  	_ =	shalt  }
0x64: {  	_ =	shalt  }
0x65: {  	_ =	shalt  }
0x66: {  	_ =	shalt  }
0x67: {  	_ =	shalt  }
0x68: {  	_ =	shalt  }
0x69: {  	_ =	shalt  }
0x6a: {  	_ =	shalt  }
0x6b: {  	_ =	shalt  }
0x6c: {  	_ =	shalt  }
0x6d: {  	_ =	shalt  }
0x6e: {  	_ =	shalt  }
0x6f: {  	_ =	shalt  }
0x70: {  	_ =	shalt  }
0x71: {  	_ =	shalt  }
0x72: {  	_ =	shalt  }
0x73: {  	_ =	shalt  }
0x74: {  	_ =	shalt  }
0x75: {  	_ =	shalt  }
0x76: {  	_ =	shalt  }
0x77: {  	_ =	shalt  }
0x78: {  	_ =	shalt  }
0x79: {  	_ =	shalt  }
0x7a: {  	_ =	shalt  }
0x7b: {  	_ =	shalt  }
0x7c: {  	_ =	shalt  }
0x7d: {  	_ =	shalt  }
0x7e: {  	_ =	shalt  }
0x7f: {  	_ =	shalt  }
0x80: {  	_ =	shalt  }
0x81: {  	_ =	shalt  }
0x82: {  	_ =	shalt  }
0x83: {  	_ =	shalt  }
0x84: {  	_ =	shalt  }
0x85: {  	_ =	shalt  }
0x86: {  	_ =	shalt  }
0x87: {  	_ =	shalt  }
.Lfunc_end0:
.L_simem_size_0:
called_computation_lowered:
.L_overlay_start_0:
0x88: {  	s2 =	sld [smem:$0x3FD9]  }
0x89: {  	s3 =	sld [smem:$0x3FFE];
	_ =	sdelay $0x1  }
0x8a: {  	s1 =	srdreg.scid  }
0x8b: {  	s0 =	sand.u32 $0x1, s1  }
0x8c: {  	s17 =	sshll.u32 s0, $0xA;
	s2 =	sadd.s32 s3, s2  }
0x8d: {  	s2 =	sadd.s32 s2, s17  }
0x8e: {  	[smem:$0x3FC7] =	sst s2  }
0x8f: {  	_ = 	snop  }
0x90: {  	s2 =	sld [smem:$0x3FD0];
	(tm) =	ssettm $0x1  }
0x91: {  	s18 =	sld [smem:$0x3FFB];
	_ =	sdelay $0x3  }
0x92: {  	_ =	strace s18  }
0x93: {  	s3 =	sld [smem:$0x3FFC];
	_ =	sdelay $0x3  }
0x94: {  	_ =	strace s3  }
0x95: {  	s3 =	sld [smem:$0x3FFD];
	_ =	sdelay $0x3  }
0x96: {  	_ =	strace s3  }
0x97: {  	_ =	strace $0x8FFFFFFF  }
0x98: {  	s19 =	sld [smem:$0x3FDB];
	_ =	sdelay $0x1  }
0x99: {  	s4 =	simm.s32 $_scs_section_size  }
0x9a: {  	s5 =	simm.s32 $_size__tile_overlayer_lowered;
	s6 =	simm.s32 $_tile_overlayer_lowered  }
0x9b: {  	s22 =	simm.s32 $0x1BFF;
	s21 =	sshll.u32 s6, $0x1;
	s3 =	sadd.s32 s4, s19  }
0x9c: {  	s7 =	simm.s32 $0x0;
	s20 =	sshll.u32 s5, $0x1;
	s5 =	sadd.s32 s21, s3  }
0x9d: {  	[timem:s7], [sflag:s22] =	dma.local [hbm:s5], s20  }
0x9e: {  	_ =	swait.ge [sflag:s22], s20  }
0x9f: {  	s4 =	ssub.s32 $0x0, s20;
	[sflag:s22] =	ssyncset.done $0x0  }
0xa0: {  	[sflag:s22] =	ssyncadd.s32 s4;
	_ =	sdelay $0x1  }
0xa1: {  	s23 =	simm.s32 $0x1B8B  }
0xa2: {  	_ =	swait.ge [sflag:s23], $0x1  }
0xa3: {  	[sflag:s23] =	ssyncset.done $0x0  }
0xa4: {  	s25 =	simm.s32 $0x1B8E;
	s24 =	sld [smem:$0x3FFE];
	[sflag:s23] =	ssyncadd.s32 $0xFFFFFFFF  }
0xa5: {  	s26 =	simm.s32 $execute0_lowered;
	[smem:$0x3FD2] =	sst s25  }
0xa6: {  	s5 =	sshll.u32 s26, $0x1;
	_ =	strace $0x80000046;
	[dreg:$0x1] =	wrdreg $0xFFFFFFFF  }
0xa7: {  	s28 =	simm.s32 $_size_execute0_lowered;
	s3 =	sadd.s32 s3, s5;
	[dreg:$0x0] =	wrdreg $0x0  }
0xa8: {  	s5 =	sshll.u32 s28, $0x1;
	[dreg:$0x2] =	wrdreg s3  }
0xa9: {  	[dreg:$0x3] =	wrdreg s5  }
0xaa: {  	[dreg:$0x4] =	wrdreg $0xC0  }
0xab: {  	_ =	task [dreg:s7], $0x5FFFF  }
0xac: {  	[dreg:$0x1] =	wrdreg $0xFFFFFFFF  }
0xad: {  	[dreg:$0x0] =	wrdreg $0x60  }
0xae: {  	[dreg:$0x2] =	wrdreg s24  }
0xaf: {  	[dreg:$0x3] =	wrdreg s2  }
0xb0: {  	[dreg:$0x4] =	wrdreg $0x9  }
0xb1: {  	_ =	task.clear_ibuf [dreg:s7], $0x5FFFF;
	_ =	strace $0x90000046  }
0xb2: {  	s29 =	simm.s32 $0x9;
	_ =	strace $0x80000048  }
0xb3: {  	_ =	swait.ge [sflag:s29], $0x1  }
0xb4: {  	[sflag:s29] =	ssyncadd.s32 $0xFFFFFFFF  }
0xb5: {  	_ =	strace $0x90000048  }
0xb6: {  	_ =	sfence  }
0xb7: {  	s30 =	sld [smem:$0x0];
	_ =	sdelay $0x2  }
0xb8: {  	s31 =	sshll.u32 s1, $0xD;
	s1 =	sshrl.u32 s1, $0x2  }
0xb9: {  	s3 =	sand.u32 $0x4000, s31;
	s1 =	sadd.s32 s1, s30  }
0xba: {  	s0 =	sor.u32 s3, s0;
	s1 =	sshll.u32 s1, $0x11  }
0xbb: {  	s0 =	sor.u32 s1, s0  }
0xbc: {  	s0 =	sadd.s32 $0x8F2B, s0  }
0xbd: {  	[sflag:s0] =	ssyncadd.remote.s32 $0x1  }
0xbe: {  	_ =	sfence.sel $0xFFFF  }
0xbf: {  	[dreg:$0x0] =	wrdreg $0xFFFFFFFF;
	(pc) =	sbr.abs _section_cstart, $3  }
0xc0: {  	[dreg:$0x1] =	wrdreg $0xFFFFFFFF  }
0xc1: {  	_ =	task.clear_ibuf [dreg:s7], $0x2FFFF;
	_ =	strace $0x9FFFFFFF  }
0xc2: {  	(tm) =	ssettm $0x7FFFFFFF  }
0xc3: {  	_ =	shalt  }
tec
execute0_lowered:
.L_overlay_start_1:
0x0: {  	(tag) =	ssettag $0x1  }
0x1: {  	s0 =	rddreg [dreg:$0x0]  }
0x2: {  	s2 =	rddreg [dreg:$0x1];
	s3 =	simm.s32 $0x0;
	s8 =	stileid.u32  }
0x3: {  	s1 =	srdreg.scid;
	s15 =	simm.s32 $0x2000;
	s16 =	simm.s32 $0xA000  }
0x4: {  	s17 =	simm.s32 $0x1;
	s18 =	simm.s32 $0x2;
	[smem:$0x7FF] =	sst s3  }
0x5: {  	s4 =	sshll.u32 s8, $0x4;
	s1 =	sand.u32 $0x1, s1;
	s6 =	sshll.u32 s8, $0x9  }
0x6: {  	_ =	strace $0x80000047;
	s4 =	sand.u32 $0x70, s4;
	s5 =	ssub.s32 $0x2, s1  }
0x7: {  	s6 =	sand.u32 $0x1000, s6;
	s25 =	smul.u32 $0xFFFFFC10, s1;
	s0 =	sadd.s32 s4, s0  }
0x8: {  	s24 =	sshrl.u32 s5, $0x1;
	s4 =	sshll.u32 s1, $0x4;
	s1 =	sshll.u32 s1, $0x13  }
0x9: {  	s5 =	ssub.s32 s5, s24;
	s0 =	sadd.s32 s6, s0;
	s7 =	sor.u32 $0x1, s4  }
0xa: {  	s6 =	sshll.u32 s8, $0x14;
	s0 =	sadd.s32 $0x400, s0;
	s26 =	sshll.u32 s7, $0xF  }
0xb: {  	s1 =	sor.u32 s1, s6;
	s9 =	smul.u32 $0xFFFFFFC1, s7;
	s31 =	smax.u32 s5, $0x1  }
0xc: {  	v0 =	vlaneseq.u32;
	[dreg:$0x3] =	wrdreg s0;
	s8 =	sor.u32 s6, s26;
	s28 =	sshrl.u32 s1, $0x3  }
0xd: {  	v0 =	vmul.u32 $0xFFFFFFFF, v0;
	[dreg:$0x6] =	wrdreg s31;
	s29 =	sshrl.u32 s8, $0x3;
	s0 =	sadd.s32 s2, s28  }
0xe: {  	s7 =	sadd.s32 $0x7C0, s25;
	[dreg:$0x4] =	wrdreg s0;
	s30 =	sadd.s32 s2, s29  }
0xf: {  	v0 =	vadd.s32 $0xF, v0;
	s1 =	simm.s32 $0x0;
	s9 =	sadd.s32 $0x7C0, s9;
	[dreg:$0x5] =	wrdreg s30  }
.LBB2_1:
0x10: {  	[dreg:$0x7] =	wrdreg s1  }
0x11: {  	s0 =	rddreg [dreg:$0x3]  }
0x12: {  	s29 =	simm.s32 $0x80;
	s5 =	simm.s32 $0x400;
	s30 =	simm.s32 $0x3  }
0x13: {  	[tilespmem:s3], [sflag:$0x3] =	stream.strided.gather [hbm4b:s0+s29], $0x1000, s5, s29, $0x38;
	[tilespmem:$0x12000] =	vst v63  }
0x14: {  	_ =	swait.ge [sflag:s30], $0x1000  }
0x15: {  	[sflag:s30] =	ssyncset.done $0x0  }
0x16: {  	s31 =	simm.s32 $0xF71;
	[sflag:s30] =	ssyncadd.s32 $0xFFFFF000  }
0x17: {  	v1 =	vld [tilespmem:s31+$0x0];
	_ =	sdelay $0x4  }
0x18: {  	v1 =	vperm.xlane v1, v0  }
0x19: {  	s0 =	simm.s32 $0x1000  }
0x1a: {  	s1 =	simm.s32 $0x3D44;
	s5 =	simm.s32 $0xF61;
	[tilespmem:s0+$0x0] =	vst v1  }
.LBB2_2:
0x1b: {  	p0 =	sne.s32 s1, $0x4;
	v1 =	vld [tilespmem:s5+$0x0];
	_ =	sdelay $0x2  }
.Ltmp0:
0x1c: {  	(pc) =	sbr.rel @p0 .LBB2_2-.Ltmp0, $4  }
0x1d: {  	_ = 	snop  }
0x1e: {  	v1 =	vperm.xlane v1, v0  }
0x1f: {  	s0 =	sadd.s32 $0x10, s0  }
0x20: {  	s5 =	sshra.s32 s1, $0x2;
	s1 =	sadd.s32 $0xFFFFFFC0, s1;
	[tilespmem:s0+$0x0] =	vst v1  }
0x21: {  	v1 =	vld [tilespmem:s5+$0x0];
	_ =	sdelay $0x4  }
0x22: {  	v1 =	vperm.xlane v1, v0  }
0x23: {  	s0 =	sadd.s32 $0x10, s0  }
0x24: {  	[tilespmem:s0+$0x0] =	vst v1  }
0x25: {  	v1 =	vld [tilespmem:$0x0]  }
0x26: {  	s10 =	simm.s32 $0x0  }
0x27: {  	s0 =	sand.u32 $0x6, s10  }
0x28: {  	s1 =	sor.u32 $0x1, s0  }
0x29: {  	s11 =	simm.s32 $0x0;
	s12 =	smul.u32 $0x3F0, s1  }
0x2a: {  	s5 =	ssub.s32 s7, s11;
	s13 =	smul.u32 $0x3F0, s0;
	v1 =	vperm.xlane v1, v0  }
0x2b: {  	s5 =	sadd.s32 $0x1000, s5;
	s12 =	sshrl.u32 s12, $0x2  }
0x2c: {  	s13 =	sshrl.u32 s13, $0x2;
	s20 =	sadd.s32 s12, s5;
	[tilespmem:$0x1F71] =	vst v1  }
0x2d: {  	s23 =	sadd.s32 s13, s5;
	s12 =	simm.s32 $0x0;
	v1 =	vld [tilespmem:s20+$0x0]  }
0x2e: {  	s5 =	sand.u32 $0x6000, s12;
	v2 =	vld [tilespmem:s23+$0x0]  }
0x2f: {  	s1 =	sshll.u32 s1, $0xA;
	s13 =	simm.s32 $0x0;
	s5 =	sadd.s32 $0x2000, s5  }
0x30: {  	s0 =	sshll.u32 s0, $0xA;
	s12 =	sand.u32 $0x380, s13;
	s1 =	sor.u32 s1, s5  }
0x31: {  	s0 =	sor.u32 s0, s5;
	s22 =	sor.u32 s12, s1  }
0x32: {  	s21 =	sor.u32 s12, s0;
	[tilespmem:s22+$0x0] =	vst v1  }
0x33: {  	[tilespmem:s21+$0x0] =	vst v2;
	v1 =	vld [tilespmem:s20+$0x10]  }
0x34: {  	v2 =	vld [tilespmem:s23+$0x10];
	_ =	sdelay $0x1  }
0x35: {  	s14 =	simm.s32 $0x2  }
0x36: {  	s0 =	sand.u32 $0x6, s14  }
0x37: {  	s19 =	sor.u32 $0x1, s0;
	[tilespmem:s22+$0x10] =	vst v1  }
0x38: {  	s25 =	simm.s32 $0x0;
	s26 =	smul.u32 $0x3F0, s19;
	[tilespmem:s21+$0x10] =	vst v2;
	v1 =	vld [tilespmem:s20+$0x3F]  }
0x39: {  	s5 =	ssub.s32 s7, s25;
	s30 =	smul.u32 $0x3F0, s0;
	v2 =	vld [tilespmem:s23+$0x3F]  }
0x3a: {  	s5 =	sadd.s32 $0x1000, s5;
	s12 =	sshrl.u32 s26, $0x2  }
0x3b: {  	s13 =	sshrl.u32 s30, $0x2;
	s28 =	sadd.s32 s12, s5  }
0x3c: {  	s31 =	simm.s32 $0x100;
	s24 =	sadd.s32 s13, s5;
	v3 =	vld [tilespmem:s28+$0x0]  }
0x3d: {  	v4 =	vld [tilespmem:s24+$0x0];
	s5 =	sand.u32 $0x6000, s31;
	[tilespmem:s22+$0x20] =	vst v1  }
0x3e: {  	s8 =	simm.s32 $0x20;
	s1 =	sshll.u32 s19, $0xA;
	s5 =	sadd.s32 $0x2000, s5;
	[tilespmem:s21+$0x20] =	vst v2;
	v1 =	vld [tilespmem:s20+$0x4F]  }
0x3f: {  	s0 =	sshll.u32 s0, $0xA;
	s12 =	sand.u32 $0x380, s8;
	s1 =	sor.u32 s1, s5;
	v2 =	vld [tilespmem:s23+$0x4F]  }
0x40: {  	s0 =	sor.u32 s0, s5;
	s26 =	sor.u32 s12, s1  }
0x41: {  	s25 =	sor.u32 s12, s0;
	[tilespmem:s26+$0x0] =	vst v3  }
0x42: {  	[tilespmem:s25+$0x0] =	vst v4;
	v3 =	vld [tilespmem:s28+$0x10]  }
0x43: {  	v4 =	vld [tilespmem:s24+$0x10];
	[tilespmem:s22+$0x30] =	vst v1  }
0x44: {  	[tilespmem:s21+$0x30] =	vst v2;
	v1 =	vld [tilespmem:s20+$0x7E]  }
0x45: {  	s1 =	simm.s32 $0x4;
	v2 =	vld [tilespmem:s23+$0x7E]  }
0x46: {  	s10 =	sand.u32 $0x6, s1  }
0x47: {  	s11 =	sor.u32 $0x1, s10;
	[tilespmem:s26+$0x10] =	vst v3  }
0x48: {  	s14 =	simm.s32 $0x0;
	s19 =	smul.u32 $0x3F0, s11;
	[tilespmem:s25+$0x10] =	vst v4;
	v3 =	vld [tilespmem:s28+$0x3F]  }
0x49: {  	s0 =	ssub.s32 s7, s14;
	s29 =	smul.u32 $0x3F0, s10;
	v4 =	vld [tilespmem:s24+$0x3F];
	[tilespmem:s22+$0x40] =	vst v1  }
0x4a: {  	s0 =	sadd.s32 $0x1000, s0;
	s13 =	sshrl.u32 s19, $0x2;
	[tilespmem:s21+$0x40] =	vst v2;
	v1 =	vld [tilespmem:s20+$0x8E]  }
0x4b: {  	s30 =	sshrl.u32 s29, $0x2;
	s29 =	sadd.s32 s13, s0;
	v2 =	vld [tilespmem:s23+$0x8E]  }
0x4c: {  	s0 =	sadd.s32 s30, s0;
	s30 =	simm.s32 $0x200;
	v5 =	vld [tilespmem:s29+$0x0]  }
0x4d: {  	v6 =	vld [tilespmem:s0+$0x0];
	s13 =	sand.u32 $0x6000, s30;
	[tilespmem:s26+$0x20] =	vst v3  }
0x4e: {  	s31 =	simm.s32 $0x40;
	s12 =	sshll.u32 s11, $0xA;
	s13 =	sadd.s32 $0x2000, s13;
	[tilespmem:s25+$0x20] =	vst v4;
	v3 =	vld [tilespmem:s28+$0x4F]  }
0x4f: {  	s5 =	sshll.u32 s10, $0xA;
	s30 =	sand.u32 $0x380, s31;
	s12 =	sor.u32 s12, s13;
	v7 =	vld [tilespmem:s24+$0x4F];
	[tilespmem:s22+$0x50] =	vst v1  }
0x50: {  	s5 =	sor.u32 s5, s13;
	s12 =	sor.u32 s30, s12;
	[tilespmem:s21+$0x50] =	vst v2;
	v1 =	vld [tilespmem:s20+$0xBD]  }
0x51: {  	s5 =	sor.u32 s30, s5;
	[tilespmem:s12+$0x0] =	vst v5;
	v2 =	vld [tilespmem:s23+$0xBD]  }
0x52: {  	[tilespmem:s5+$0x0] =	vst v6;
	v5 =	vld [tilespmem:s29+$0x10]  }
0x53: {  	v4 =	vld [tilespmem:s0+$0x10];
	[tilespmem:s26+$0x30] =	vst v3  }
0x54: {  	[tilespmem:s25+$0x30] =	vst v7;
	v3 =	vld [tilespmem:s28+$0x7E]  }
.LBB2_4:
0x55: {  	s1 =	sadd.s32 $0x2, s1;
	v6 =	vld [tilespmem:s24+$0x7E];
	[tilespmem:s22+$0x60] =	vst v1  }
0x56: {  	s13 =	sand.u32 $0x6, s1;
	p0 =	slt.u32 s1, $0xFE;
	[tilespmem:s21+$0x60] =	vst v2;
	v1 =	vld [tilespmem:s20+$0xCD];
	s20 =	smov.u32 s28  }
0x57: {  	s28 =	smul.u32 $0x3F0, s13;
	s30 =	sshll.u32 s13, $0xA;
	s13 =	sor.u32 $0x1, s13;
	[tilespmem:s12+$0x10] =	vst v5;
	v2 =	vld [tilespmem:s23+$0xCD]  }
0x58: {  	s31 =	sshrl.u32 s1, $0x3;
	s23 =	smov.u32 s24;
	s8 =	smul.u32 $0x3F0, s13;
	[tilespmem:s5+$0x10] =	vst v4;
	v4 =	vld [tilespmem:s29+$0x3F]  }
0x59: {  	s31 =	ssub.s32 s7, s31;
	s24 =	smov.u32 s0;
	s10 =	sshrl.u32 s28, $0x2;
	v5 =	vld [tilespmem:s0+$0x3F];
	[tilespmem:s26+$0x40] =	vst v3  }
0x5a: {  	s31 =	sadd.s32 $0x1000, s31;
	s28 =	smov.u32 s29;
	s8 =	sshrl.u32 s8, $0x2;
	[tilespmem:s25+$0x40] =	vst v6;
	v3 =	vld [tilespmem:s20+$0x8E]  }
0x5b: {  	s0 =	sadd.s32 s10, s31;
	s29 =	sadd.s32 s8, s31;
	v6 =	vld [tilespmem:s23+$0x8E];
	[tilespmem:s22+$0x70] =	vst v1;
	s22 =	smov.u32 s26  }
0x5c: {  	s8 =	sshll.u32 s1, $0x7;
	v7 =	vld [tilespmem:s29+$0x0];
	[tilespmem:s21+$0x70] =	vst v2;
	s21 =	smov.u32 s25;
	s25 =	smov.u32 s5  }
0x5d: {  	s26 =	smov.u32 s12;
	s5 =	sand.u32 $0x6000, s8;
	v8 =	vld [tilespmem:s0+$0x0];
	[tilespmem:s12+$0x20] =	vst v4  }
0x5e: {  	s10 =	sshll.u32 s13, $0xA;
	s8 =	sshll.u32 s1, $0x4;
	s5 =	sadd.s32 $0x2000, s5;
	[tilespmem:s25+$0x20] =	vst v5;
	v9 =	vld [tilespmem:s28+$0x4F]  }
0x5f: {  	s8 =	sand.u32 $0x380, s8;
	s12 =	sor.u32 s30, s5;
	s10 =	sor.u32 s10, s5;
	v10 =	vld [tilespmem:s24+$0x4F];
	[tilespmem:s22+$0x50] =	vst v3  }
.Ltmp1:
0x60: {  	s5 =	sor.u32 s8, s12;
	s12 =	sor.u32 s8, s10;
	[tilespmem:s21+$0x50] =	vst v6;
	v1 =	vld [tilespmem:s20+$0xBD];
	(pc) =	sbr.rel @p0 .LBB2_4-.Ltmp1, $4  }
0x61: {  	[tilespmem:s12+$0x0] =	vst v7;
	v2 =	vld [tilespmem:s23+$0xBD]  }
0x62: {  	[tilespmem:s5+$0x0] =	vst v8;
	v5 =	vld [tilespmem:s29+$0x10]  }
0x63: {  	v4 =	vld [tilespmem:s0+$0x10];
	[tilespmem:s26+$0x30] =	vst v9  }
0x64: {  	[tilespmem:s25+$0x30] =	vst v10;
	v3 =	vld [tilespmem:s28+$0x7E]  }
0x65: {  	_ =	sdelay $0x1  }
0x66: {  	[tilespmem:s12+$0x10] =	vst v5  }
0x67: {  	[tilespmem:s5+$0x10] =	vst v4;
	v4 =	vld [tilespmem:s29+$0x3F]  }
0x68: {  	v5 =	vld [tilespmem:s0+$0x3F];
	_ =	sdelay $0x3  }
0x69: {  	[tilespmem:s12+$0x20] =	vst v4  }
0x6a: {  	[tilespmem:s5+$0x20] =	vst v5;
	v4 =	vld [tilespmem:s29+$0x4F]  }
0x6b: {  	v5 =	vld [tilespmem:s0+$0x4F];
	_ =	sdelay $0x2  }
0x6c: {  	v6 =	vld [tilespmem:s24+$0x7E]  }
0x6d: {  	[tilespmem:s12+$0x30] =	vst v4  }
0x6e: {  	[tilespmem:s5+$0x30] =	vst v5;
	v4 =	vld [tilespmem:s29+$0x7E]  }
0x6f: {  	v5 =	vld [tilespmem:s0+$0x7E]  }
0x70: {  	[tilespmem:s26+$0x40] =	vst v3  }
0x71: {  	[tilespmem:s25+$0x40] =	vst v6;
	v3 =	vld [tilespmem:s28+$0x8E]  }
0x72: {  	v6 =	vld [tilespmem:s24+$0x8E]  }
0x73: {  	[tilespmem:s12+$0x40] =	vst v4  }
0x74: {  	[tilespmem:s5+$0x40] =	vst v5;
	v4 =	vld [tilespmem:s29+$0x8E]  }
0x75: {  	v5 =	vld [tilespmem:s0+$0x8E]  }
0x76: {  	[tilespmem:s26+$0x50] =	vst v3  }
0x77: {  	[tilespmem:s25+$0x50] =	vst v6;
	v3 =	vld [tilespmem:s28+$0xBD]  }
0x78: {  	[tilespmem:s22+$0x60] =	vst v1;
	v6 =	vld [tilespmem:s24+$0xBD]  }
0x79: {  	[tilespmem:s12+$0x50] =	vst v4  }
0x7a: {  	[tilespmem:s5+$0x50] =	vst v5;
	v4 =	vld [tilespmem:s29+$0xBD]  }
0x7b: {  	[tilespmem:s21+$0x60] =	vst v2;
	v1 =	vld [tilespmem:s0+$0xBD]  }
0x7c: {  	v2 =	vld [tilespmem:s20+$0xCD];
	[tilespmem:s26+$0x60] =	vst v3  }
0x7d: {  	[tilespmem:s25+$0x60] =	vst v6;
	v3 =	vld [tilespmem:s28+$0xCD]  }
0x7e: {  	v6 =	vld [tilespmem:s24+$0xCD]  }
0x7f: {  	v5 =	vld [tilespmem:s23+$0xCD];
	[tilespmem:s12+$0x60] =	vst v4  }
0x80: {  	[tilespmem:s5+$0x60] =	vst v1;
	v1 =	vld [tilespmem:s29+$0xCD]  }
0x81: {  	[tilespmem:s22+$0x70] =	vst v2;
	v2 =	vld [tilespmem:s0+$0xCD]  }
0x82: {  	s19 =	simm.s32 $0x0;
	[tilespmem:s26+$0x70] =	vst v3  }
0x83: {  	[tilespmem:s25+$0x70] =	vst v6;
	s0 =	sand.u32 $0x6, s19  }
0x84: {  	[tilespmem:s21+$0x70] =	vst v5;
	s1 =	sor.u32 $0x1, s0  }
0x85: {  	s20 =	simm.s32 $0x0;
	s8 =	smul.u32 $0x3F0, s1;
	[tilespmem:s12+$0x70] =	vst v1  }
0x86: {  	s10 =	smul.u32 $0x3F0, s0;
	[tilespmem:s5+$0x70] =	vst v2;
	s5 =	ssub.s32 s9, s20  }
0x87: {  	s8 =	sshrl.u32 s8, $0x2;
	s14 =	rddreg [dreg:$0x4];
	s5 =	sadd.s32 $0x1000, s5  }
0x88: {  	[hbm4b:s14+s3] =	stream.linear.scatter [tilespmem:s15], [sflag:$0x1], $0x8000, $0x38;
	[tilespmem:$0x12000] =	vst v63  }
0x89: {  	s10 =	sshrl.u32 s10, $0x2;
	s20 =	sadd.s32 s8, s5  }
0x8a: {  	s21 =	simm.s32 $0x0;
	s23 =	sadd.s32 s10, s5;
	v1 =	vld [tilespmem:s20+$0x0]  }
0x8b: {  	s5 =	sand.u32 $0x6000, s21;
	v2 =	vld [tilespmem:s23+$0x0]  }
0x8c: {  	s22 =	simm.s32 $0x0;
	s1 =	sshll.u32 s1, $0xA;
	s5 =	sadd.s32 $0xA000, s5  }
0x8d: {  	s0 =	sshll.u32 s0, $0xA;
	s8 =	sand.u32 $0x380, s22;
	s1 =	sor.u32 s1, s5  }
0x8e: {  	s0 =	sor.u32 s0, s5;
	s22 =	sor.u32 s8, s1  }
0x8f: {  	s21 =	sor.u32 s8, s0;
	[tilespmem:s22+$0x0] =	vst v1  }
0x90: {  	[tilespmem:s21+$0x0] =	vst v2;
	v1 =	vld [tilespmem:s20+$0x10]  }
0x91: {  	v2 =	vld [tilespmem:s23+$0x10];
	_ =	sdelay $0x1  }
0x92: {  	s24 =	simm.s32 $0x2  }
0x93: {  	s0 =	sand.u32 $0x6, s24  }
0x94: {  	s25 =	sor.u32 $0x1, s0;
	[tilespmem:s22+$0x10] =	vst v1  }
0x95: {  	s26 =	simm.s32 $0x0;
	s30 =	smul.u32 $0x3F0, s25;
	[tilespmem:s21+$0x10] =	vst v2;
	v1 =	vld [tilespmem:s20+$0x3F]  }
0x96: {  	s5 =	ssub.s32 s9, s26;
	s31 =	smul.u32 $0x3F0, s0;
	v2 =	vld [tilespmem:s23+$0x3F]  }
0x97: {  	s5 =	sadd.s32 $0x1000, s5;
	s8 =	sshrl.u32 s30, $0x2  }
0x98: {  	s10 =	sshrl.u32 s31, $0x2;
	s28 =	sadd.s32 s8, s5  }
0x99: {  	s24 =	sadd.s32 s10, s5;
	s8 =	simm.s32 $0x100;
	v3 =	vld [tilespmem:s28+$0x0]  }
0x9a: {  	v4 =	vld [tilespmem:s24+$0x0];
	s5 =	sand.u32 $0x6000, s8;
	[tilespmem:s22+$0x20] =	vst v1  }
0x9b: {  	s1 =	sshll.u32 s25, $0xA;
	s10 =	simm.s32 $0x20;
	s5 =	sadd.s32 $0xA000, s5;
	[tilespmem:s21+$0x20] =	vst v2;
	v1 =	vld [tilespmem:s20+$0x4F]  }
0x9c: {  	s0 =	sshll.u32 s0, $0xA;
	s8 =	sand.u32 $0x380, s10;
	s1 =	sor.u32 s1, s5;
	v2 =	vld [tilespmem:s23+$0x4F]  }
0x9d: {  	s0 =	sor.u32 s0, s5;
	s26 =	sor.u32 s8, s1  }
0x9e: {  	s25 =	sor.u32 s8, s0;
	[tilespmem:s26+$0x0] =	vst v3  }
0x9f: {  	[tilespmem:s25+$0x0] =	vst v4;
	v3 =	vld [tilespmem:s28+$0x10]  }
0xa0: {  	v4 =	vld [tilespmem:s24+$0x10];
	[tilespmem:s22+$0x30] =	vst v1  }
0xa1: {  	[tilespmem:s21+$0x30] =	vst v2;
	v1 =	vld [tilespmem:s20+$0x7E]  }
0xa2: {  	s1 =	simm.s32 $0x4;
	v2 =	vld [tilespmem:s23+$0x7E]  }
0xa3: {  	s5 =	sand.u32 $0x6, s1  }
0xa4: {  	s11 =	sor.u32 $0x1, s5;
	[tilespmem:s26+$0x10] =	vst v3  }
0xa5: {  	s13 =	simm.s32 $0x0;
	s14 =	smul.u32 $0x3F0, s11;
	[tilespmem:s25+$0x10] =	vst v4;
	v3 =	vld [tilespmem:s28+$0x3F]  }
0xa6: {  	s0 =	ssub.s32 s9, s13;
	s19 =	smul.u32 $0x3F0, s5;
	v4 =	vld [tilespmem:s24+$0x3F];
	[tilespmem:s22+$0x40] =	vst v1  }
0xa7: {  	s0 =	sadd.s32 $0x1000, s0;
	s10 =	sshrl.u32 s14, $0x2;
	[tilespmem:s21+$0x40] =	vst v2;
	v1 =	vld [tilespmem:s20+$0x8E]  }
0xa8: {  	s12 =	sshrl.u32 s19, $0x2;
	s29 =	sadd.s32 s10, s0;
	v2 =	vld [tilespmem:s23+$0x8E]  }
0xa9: {  	s30 =	simm.s32 $0x200;
	s0 =	sadd.s32 s12, s0;
	v5 =	vld [tilespmem:s29+$0x0]  }
0xaa: {  	s10 =	sand.u32 $0x6000, s30;
	v6 =	vld [tilespmem:s0+$0x0];
	[tilespmem:s26+$0x20] =	vst v3  }
0xab: {  	s31 =	simm.s32 $0x40;
	s8 =	sshll.u32 s11, $0xA;
	s10 =	sadd.s32 $0xA000, s10;
	[tilespmem:s25+$0x20] =	vst v4;
	v3 =	vld [tilespmem:s28+$0x4F]  }
0xac: {  	s13 =	sand.u32 $0x380, s31;
	s5 =	sshll.u32 s5, $0xA;
	s8 =	sor.u32 s8, s10;
	v7 =	vld [tilespmem:s24+$0x4F];
	[tilespmem:s22+$0x50] =	vst v1  }
0xad: {  	s5 =	sor.u32 s5, s10;
	s12 =	sor.u32 s13, s8;
	[tilespmem:s21+$0x50] =	vst v2;
	v1 =	vld [tilespmem:s20+$0xBD]  }
0xae: {  	s5 =	sor.u32 s13, s5;
	[tilespmem:s12+$0x0] =	vst v5;
	v2 =	vld [tilespmem:s23+$0xBD]  }
0xaf: {  	[tilespmem:s5+$0x0] =	vst v6;
	v5 =	vld [tilespmem:s29+$0x10]  }
0xb0: {  	v4 =	vld [tilespmem:s0+$0x10];
	[tilespmem:s26+$0x30] =	vst v3  }
0xb1: {  	[tilespmem:s25+$0x30] =	vst v7;
	v3 =	vld [tilespmem:s28+$0x7E]  }
.LBB2_6:
0xb2: {  	s1 =	sadd.s32 $0x2, s1;
	v6 =	vld [tilespmem:s24+$0x7E];
	[tilespmem:s22+$0x60] =	vst v1  }
0xb3: {  	s8 =	sand.u32 $0x6, s1;
	p0 =	slt.u32 s1, $0xFE;
	[tilespmem:s21+$0x60] =	vst v2;
	v1 =	vld [tilespmem:s20+$0xCD];
	s20 =	smov.u32 s28  }
0xb4: {  	s10 =	smul.u32 $0x3F0, s8;
	s13 =	sshll.u32 s8, $0xA;
	s8 =	sor.u32 $0x1, s8;
	[tilespmem:s12+$0x10] =	vst v5;
	v2 =	vld [tilespmem:s23+$0xCD]  }
0xb5: {  	s28 =	sshrl.u32 s1, $0x3;
	s23 =	smov.u32 s24;
	s30 =	smul.u32 $0x3F0, s8;
	[tilespmem:s5+$0x10] =	vst v4;
	v4 =	vld [tilespmem:s29+$0x3F]  }
0xb6: {  	s28 =	ssub.s32 s9, s28;
	s24 =	smov.u32 s0;
	s10 =	sshrl.u32 s10, $0x2;
	v5 =	vld [tilespmem:s0+$0x3F];
	[tilespmem:s26+$0x40] =	vst v3  }
0xb7: {  	s31 =	sadd.s32 $0x1000, s28;
	s28 =	smov.u32 s29;
	s30 =	sshrl.u32 s30, $0x2;
	[tilespmem:s25+$0x40] =	vst v6;
	v3 =	vld [tilespmem:s20+$0x8E]  }
0xb8: {  	s0 =	sadd.s32 s10, s31;
	s29 =	sadd.s32 s30, s31;
	v6 =	vld [tilespmem:s23+$0x8E];
	[tilespmem:s22+$0x70] =	vst v1;
	s22 =	smov.u32 s26  }
0xb9: {  	s10 =	sshll.u32 s1, $0x7;
	v7 =	vld [tilespmem:s29+$0x0];
	[tilespmem:s21+$0x70] =	vst v2;
	s21 =	smov.u32 s25;
	s25 =	smov.u32 s5  }
0xba: {  	s26 =	smov.u32 s12;
	s5 =	sand.u32 $0x6000, s10;
	v8 =	vld [tilespmem:s0+$0x0];
	[tilespmem:s12+$0x20] =	vst v4  }
0xbb: {  	s8 =	sshll.u32 s8, $0xA;
	s10 =	sshll.u32 s1, $0x4;
	s5 =	sadd.s32 $0xA000, s5;
	[tilespmem:s25+$0x20] =	vst v5;
	v9 =	vld [tilespmem:s28+$0x4F]  }
0xbc: {  	s10 =	sand.u32 $0x380, s10;
	s12 =	sor.u32 s13, s5;
	s8 =	sor.u32 s8, s5;
	v10 =	vld [tilespmem:s24+$0x4F];
	[tilespmem:s22+$0x50] =	vst v3  }
.Ltmp2:
0xbd: {  	s5 =	sor.u32 s10, s12;
	s12 =	sor.u32 s10, s8;
	[tilespmem:s21+$0x50] =	vst v6;
	v1 =	vld [tilespmem:s20+$0xBD];
	(pc) =	sbr.rel @p0 .LBB2_6-.Ltmp2, $4  }
0xbe: {  	[tilespmem:s12+$0x0] =	vst v7;
	v2 =	vld [tilespmem:s23+$0xBD]  }
0xbf: {  	[tilespmem:s5+$0x0] =	vst v8;
	v5 =	vld [tilespmem:s29+$0x10]  }
0xc0: {  	v4 =	vld [tilespmem:s0+$0x10];
	[tilespmem:s26+$0x30] =	vst v9  }
0xc1: {  	[tilespmem:s25+$0x30] =	vst v10;
	v3 =	vld [tilespmem:s28+$0x7E]  }
0xc2: {  	_ =	sdelay $0x1  }
0xc3: {  	[tilespmem:s12+$0x10] =	vst v5  }
0xc4: {  	[tilespmem:s5+$0x10] =	vst v4;
	v61 =	vld [tilespmem:s29+$0x3F]  }
0xc5: {  	v62 =	vld [tilespmem:s0+$0x3F];
	_ =	sdelay $0x3  }
0xc6: {  	[tilespmem:s12+$0x20] =	vst v61  }
0xc7: {  	[tilespmem:s5+$0x20] =	vst v62;
	v4 =	vld [tilespmem:s29+$0x4F]  }
0xc8: {  	v5 =	vld [tilespmem:s0+$0x4F];
	_ =	sdelay $0x3  }
0xc9: {  	v6 =	vld [tilespmem:s24+$0x7E];
	[tilespmem:s12+$0x30] =	vst v4  }
0xca: {  	[tilespmem:s5+$0x30] =	vst v5;
	v4 =	vld [tilespmem:s29+$0x7E]  }
0xcb: {  	v5 =	vld [tilespmem:s0+$0x7E];
	_ =	sdelay $0x1  }
0xcc: {  	[tilespmem:s26+$0x40] =	vst v3  }
0xcd: {  	[tilespmem:s25+$0x40] =	vst v6;
	v3 =	vld [tilespmem:s28+$0x8E]  }
0xce: {  	v6 =	vld [tilespmem:s24+$0x8E];
	[tilespmem:s12+$0x40] =	vst v4  }
0xcf: {  	[tilespmem:s5+$0x40] =	vst v5;
	v4 =	vld [tilespmem:s29+$0x8E]  }
0xd0: {  	v5 =	vld [tilespmem:s0+$0x8E];
	_ =	sdelay $0x1  }
0xd1: {  	[tilespmem:s26+$0x50] =	vst v3  }
0xd2: {  	[tilespmem:s25+$0x50] =	vst v6;
	v3 =	vld [tilespmem:s28+$0xBD]  }
0xd3: {  	v6 =	vld [tilespmem:s24+$0xBD];
	[tilespmem:s12+$0x50] =	vst v4  }
0xd4: {  	[tilespmem:s5+$0x50] =	vst v5;
	v4 =	vld [tilespmem:s29+$0xBD]  }
0xd5: {  	[tilespmem:s22+$0x60] =	vst v1;
	v1 =	vld [tilespmem:s0+$0xBD]  }
0xd6: {  	[tilespmem:s21+$0x60] =	vst v2;
	v2 =	vld [tilespmem:s20+$0xCD]  }
0xd7: {  	v63 =	vld [tilespmem:s23+$0xCD];
	[tilespmem:s26+$0x60] =	vst v3  }
0xd8: {  	[tilespmem:s25+$0x60] =	vst v6;
	v3 =	vld [tilespmem:s28+$0xCD]  }
0xd9: {  	v6 =	vld [tilespmem:s24+$0xCD];
	[tilespmem:s12+$0x60] =	vst v4  }
0xda: {  	[tilespmem:s5+$0x60] =	vst v1;
	v1 =	vld [tilespmem:s29+$0xCD]  }
0xdb: {  	[tilespmem:s22+$0x70] =	vst v2;
	v2 =	vld [tilespmem:s0+$0xCD]  }
0xdc: {  	[tilespmem:s21+$0x70] =	vst v63  }
0xdd: {  	[tilespmem:s26+$0x70] =	vst v3  }
0xde: {  	[tilespmem:s25+$0x70] =	vst v6  }
0xdf: {  	[tilespmem:s12+$0x70] =	vst v1  }
0xe0: {  	[tilespmem:s5+$0x70] =	vst v2  }
0xe1: {  	s20 =	simm.s32 $0x1;
	s31 =	rddreg [dreg:$0x5]  }
0xe2: {  	[hbm4b:s31+s3] =	stream.linear.scatter [tilespmem:s16], [sflag:$0x2], $0x8000, $0x38;
	[tilespmem:$0x12000] =	vst v63  }
.LBB2_8:
0xe3: {  	s0 =	sshll.u32 s20, $0x1  }
0xe4: {  	s24 =	simm.s32 $0x0;
	s21 =	sor.u32 s4, s0  }
0xe5: {  	s0 =	sand.u32 $0x6, s24;
	s1 =	smul.u32 $0xFFFFFFC1, s21  }
0xe6: {  	s5 =	sor.u32 $0x1, s0  }
0xe7: {  	s25 =	simm.s32 $0x0;
	s8 =	smul.u32 $0x3F0, s5;
	s26 =	sadd.s32 $0x7C0, s1  }
0xe8: {  	_ =	swait.ge [sflag:s17], $0x8000;
	s10 =	smul.u32 $0x3F0, s0;
	s1 =	ssub.s32 s26, s25  }
0xe9: {  	[sflag:s17] =	ssyncset.done $0x0;
	s8 =	sshrl.u32 s8, $0x2;
	s1 =	sadd.s32 $0x1000, s1  }
0xea: {  	[sflag:s17] =	ssyncadd.s32 $0xFFFF8000;
	s10 =	sshrl.u32 s10, $0x2;
	s22 =	sadd.s32 s8, s1  }
0xeb: {  	s25 =	sadd.s32 s10, s1;
	s10 =	simm.s32 $0x0;
	v1 =	vld [tilespmem:s22+$0x0]  }
0xec: {  	v2 =	vld [tilespmem:s25+$0x0];
	s1 =	sand.u32 $0x6000, s10  }
0xed: {  	s11 =	simm.s32 $0x0;
	s5 =	sshll.u32 s5, $0xA;
	s1 =	sadd.s32 $0x2000, s1  }
0xee: {  	s0 =	sshll.u32 s0, $0xA;
	s8 =	sand.u32 $0x380, s11;
	s5 =	sor.u32 s5, s1  }
0xef: {  	s0 =	sor.u32 s0, s1;
	s24 =	sor.u32 s8, s5  }
0xf0: {  	s23 =	sor.u32 s8, s0;
	[tilespmem:s24+$0x0] =	vst v1  }
0xf1: {  	[tilespmem:s23+$0x0] =	vst v2;
	v1 =	vld [tilespmem:s22+$0x10]  }
0xf2: {  	v2 =	vld [tilespmem:s25+$0x10];
	_ =	sdelay $0x1  }
0xf3: {  	s12 =	simm.s32 $0x2  }
0xf4: {  	s0 =	sand.u32 $0x6, s12  }
0xf5: {  	s1 =	sor.u32 $0x1, s0;
	[tilespmem:s24+$0x10] =	vst v1  }
0xf6: {  	s13 =	simm.s32 $0x0;
	s14 =	smul.u32 $0x3F0, s1;
	[tilespmem:s23+$0x10] =	vst v2;
	v1 =	vld [tilespmem:s22+$0x3F]  }
0xf7: {  	s5 =	ssub.s32 s26, s13;
	s19 =	smul.u32 $0x3F0, s0;
	v2 =	vld [tilespmem:s25+$0x3F]  }
0xf8: {  	s5 =	sadd.s32 $0x1000, s5;
	s8 =	sshrl.u32 s14, $0x2  }
0xf9: {  	s10 =	sshrl.u32 s19, $0x2;
	s31 =	sadd.s32 s8, s5  }
0xfa: {  	s11 =	simm.s32 $0x100;
	s28 =	sadd.s32 s10, s5;
	v3 =	vld [tilespmem:s31+$0x0]  }
0xfb: {  	v4 =	vld [tilespmem:s28+$0x0];
	s5 =	sand.u32 $0x6000, s11;
	[tilespmem:s24+$0x20] =	vst v1  }
0xfc: {  	s12 =	simm.s32 $0x20;
	s1 =	sshll.u32 s1, $0xA;
	s5 =	sadd.s32 $0x2000, s5;
	[tilespmem:s23+$0x20] =	vst v2;
	v1 =	vld [tilespmem:s22+$0x4F]  }
0xfd: {  	s0 =	sshll.u32 s0, $0xA;
	s8 =	sand.u32 $0x380, s12;
	s1 =	sor.u32 s1, s5;
	v2 =	vld [tilespmem:s25+$0x4F]  }
0xfe: {  	s0 =	sor.u32 s0, s5;
	s30 =	sor.u32 s8, s1  }
0xff: {  	s29 =	sor.u32 s8, s0;
	[tilespmem:s30+$0x0] =	vst v3  }
0x100: {  	[tilespmem:s29+$0x0] =	vst v4;
	v3 =	vld [tilespmem:s31+$0x10]  }
0x101: {  	v4 =	vld [tilespmem:s28+$0x10];
	[tilespmem:s24+$0x30] =	vst v1  }
0x102: {  	[tilespmem:s23+$0x30] =	vst v2;
	v1 =	vld [tilespmem:s22+$0x7E]  }
0x103: {  	s12 =	simm.s32 $0x4;
	v2 =	vld [tilespmem:s25+$0x7E]  }
0x104: {  	s5 =	sand.u32 $0x6, s12  }
0x105: {  	s8 =	sor.u32 $0x1, s5;
	[tilespmem:s30+$0x10] =	vst v3  }
0x106: {  	s13 =	simm.s32 $0x0;
	s14 =	smul.u32 $0x3F0, s8;
	[tilespmem:s29+$0x10] =	vst v4;
	v3 =	vld [tilespmem:s31+$0x3F]  }
0x107: {  	s19 =	smul.u32 $0x3F0, s5;
	s0 =	ssub.s32 s26, s13;
	v4 =	vld [tilespmem:s28+$0x3F];
	[tilespmem:s24+$0x40] =	vst v1  }
0x108: {  	s13 =	sadd.s32 $0x1000, s0;
	s1 =	sshrl.u32 s14, $0x2;
	[tilespmem:s23+$0x40] =	vst v2;
	v1 =	vld [tilespmem:s22+$0x8E]  }
0x109: {  	s11 =	sshrl.u32 s19, $0x2;
	s0 =	sadd.s32 s1, s13;
	v2 =	vld [tilespmem:s25+$0x8E]  }
0x10a: {  	s14 =	simm.s32 $0x200;
	s1 =	sadd.s32 s11, s13;
	v5 =	vld [tilespmem:s0+$0x0]  }
0x10b: {  	s10 =	sand.u32 $0x6000, s14;
	v6 =	vld [tilespmem:s1+$0x0];
	[tilespmem:s30+$0x20] =	vst v3  }
0x10c: {  	s8 =	sshll.u32 s8, $0xA;
	s19 =	simm.s32 $0x40;
	s10 =	sadd.s32 $0x2000, s10;
	[tilespmem:s29+$0x20] =	vst v4;
	v3 =	vld [tilespmem:s31+$0x4F]  }
0x10d: {  	s5 =	sshll.u32 s5, $0xA;
	s11 =	sand.u32 $0x380, s19;
	s8 =	sor.u32 s8, s10;
	v7 =	vld [tilespmem:s28+$0x4F];
	[tilespmem:s24+$0x50] =	vst v1  }
0x10e: {  	s5 =	sor.u32 s5, s10;
	s13 =	sor.u32 s11, s8;
	[tilespmem:s23+$0x50] =	vst v2;
	v1 =	vld [tilespmem:s22+$0xBD]  }
0x10f: {  	s5 =	sor.u32 s11, s5;
	[tilespmem:s13+$0x0] =	vst v5;
	v2 =	vld [tilespmem:s25+$0xBD]  }
0x110: {  	[tilespmem:s5+$0x0] =	vst v6;
	v5 =	vld [tilespmem:s0+$0x10]  }
0x111: {  	v4 =	vld [tilespmem:s1+$0x10];
	[tilespmem:s30+$0x30] =	vst v3  }
0x112: {  	[tilespmem:s29+$0x30] =	vst v7;
	v3 =	vld [tilespmem:s31+$0x7E]  }
.LBB2_9:
0x113: {  	s12 =	sadd.s32 $0x2, s12;
	v6 =	vld [tilespmem:s28+$0x7E];
	[tilespmem:s24+$0x60] =	vst v1  }
0x114: {  	s8 =	sand.u32 $0x6, s12;
	p0 =	slt.u32 s12, $0xFE;
	[tilespmem:s23+$0x60] =	vst v2;
	v1 =	vld [tilespmem:s22+$0xCD];
	s22 =	smov.u32 s31  }
0x115: {  	s10 =	smul.u32 $0x3F0, s8;
	s11 =	sshll.u32 s8, $0xA;
	s8 =	sor.u32 $0x1, s8;
	[tilespmem:s13+$0x10] =	vst v5;
	v2 =	vld [tilespmem:s25+$0xCD]  }
0x116: {  	s31 =	sshrl.u32 s12, $0x3;
	s25 =	smov.u32 s28;
	s14 =	smul.u32 $0x3F0, s8;
	[tilespmem:s5+$0x10] =	vst v4;
	v4 =	vld [tilespmem:s0+$0x3F]  }
0x117: {  	s31 =	ssub.s32 s26, s31;
	s28 =	smov.u32 s1;
	s10 =	sshrl.u32 s10, $0x2;
	v5 =	vld [tilespmem:s1+$0x3F];
	[tilespmem:s30+$0x40] =	vst v3  }
0x118: {  	s19 =	sadd.s32 $0x1000, s31;
	s31 =	smov.u32 s0;
	s14 =	sshrl.u32 s14, $0x2;
	[tilespmem:s29+$0x40] =	vst v6;
	v3 =	vld [tilespmem:s22+$0x8E]  }
0x119: {  	s1 =	sadd.s32 s10, s19;
	s0 =	sadd.s32 s14, s19;
	v6 =	vld [tilespmem:s25+$0x8E];
	[tilespmem:s24+$0x70] =	vst v1;
	s24 =	smov.u32 s30  }
0x11a: {  	s10 =	sshll.u32 s12, $0x7;
	v7 =	vld [tilespmem:s0+$0x0];
	[tilespmem:s23+$0x70] =	vst v2;
	s23 =	smov.u32 s29;
	s29 =	smov.u32 s5  }
0x11b: {  	s30 =	smov.u32 s13;
	s5 =	sand.u32 $0x6000, s10;
	v8 =	vld [tilespmem:s1+$0x0];
	[tilespmem:s13+$0x20] =	vst v4  }
0x11c: {  	s8 =	sshll.u32 s8, $0xA;
	s10 =	sshll.u32 s12, $0x4;
	s5 =	sadd.s32 $0x2000, s5;
	[tilespmem:s29+$0x20] =	vst v5;
	v9 =	vld [tilespmem:s31+$0x4F]  }
0x11d: {  	s10 =	sand.u32 $0x380, s10;
	s11 =	sor.u32 s11, s5;
	s8 =	sor.u32 s8, s5;
	v10 =	vld [tilespmem:s28+$0x4F];
	[tilespmem:s24+$0x50] =	vst v3  }
.Ltmp3:
0x11e: {  	s5 =	sor.u32 s10, s11;
	s13 =	sor.u32 s10, s8;
	[tilespmem:s23+$0x50] =	vst v6;
	v1 =	vld [tilespmem:s22+$0xBD];
	(pc) =	sbr.rel @p0 .LBB2_9-.Ltmp3, $4  }
0x11f: {  	[tilespmem:s13+$0x0] =	vst v7;
	v2 =	vld [tilespmem:s25+$0xBD]  }
0x120: {  	[tilespmem:s5+$0x0] =	vst v8;
	v5 =	vld [tilespmem:s0+$0x10]  }
0x121: {  	v4 =	vld [tilespmem:s1+$0x10];
	[tilespmem:s30+$0x30] =	vst v9  }
0x122: {  	[tilespmem:s29+$0x30] =	vst v10;
	v3 =	vld [tilespmem:s31+$0x7E]  }
0x123: {  	_ =	sdelay $0x1  }
0x124: {  	[tilespmem:s13+$0x10] =	vst v5  }
0x125: {  	[tilespmem:s5+$0x10] =	vst v4;
	v4 =	vld [tilespmem:s0+$0x3F]  }
0x126: {  	v5 =	vld [tilespmem:s1+$0x3F];
	_ =	sdelay $0x3  }
0x127: {  	[tilespmem:s13+$0x20] =	vst v4  }
0x128: {  	[tilespmem:s5+$0x20] =	vst v5;
	v4 =	vld [tilespmem:s0+$0x4F]  }
0x129: {  	v5 =	vld [tilespmem:s1+$0x4F];
	_ =	sdelay $0x2  }
0x12a: {  	v6 =	vld [tilespmem:s28+$0x7E]  }
0x12b: {  	[tilespmem:s13+$0x30] =	vst v4  }
0x12c: {  	[tilespmem:s5+$0x30] =	vst v5;
	v4 =	vld [tilespmem:s0+$0x7E]  }
0x12d: {  	v5 =	vld [tilespmem:s1+$0x7E]  }
0x12e: {  	[tilespmem:s30+$0x40] =	vst v3  }
0x12f: {  	[tilespmem:s29+$0x40] =	vst v6;
	v3 =	vld [tilespmem:s31+$0x8E]  }
0x130: {  	v6 =	vld [tilespmem:s28+$0x8E]  }
0x131: {  	[tilespmem:s13+$0x40] =	vst v4  }
0x132: {  	[tilespmem:s5+$0x40] =	vst v5;
	v4 =	vld [tilespmem:s0+$0x8E]  }
0x133: {  	v5 =	vld [tilespmem:s1+$0x8E]  }
0x134: {  	[tilespmem:s30+$0x50] =	vst v3  }
0x135: {  	[tilespmem:s29+$0x50] =	vst v6;
	v3 =	vld [tilespmem:s31+$0xBD]  }
0x136: {  	[tilespmem:s24+$0x60] =	vst v1;
	v6 =	vld [tilespmem:s28+$0xBD]  }
0x137: {  	[tilespmem:s13+$0x50] =	vst v4  }
0x138: {  	[tilespmem:s5+$0x50] =	vst v5;
	v4 =	vld [tilespmem:s0+$0xBD]  }
0x139: {  	[tilespmem:s23+$0x60] =	vst v2;
	v1 =	vld [tilespmem:s1+$0xBD]  }
0x13a: {  	v2 =	vld [tilespmem:s22+$0xCD];
	[tilespmem:s30+$0x60] =	vst v3  }
0x13b: {  	[tilespmem:s29+$0x60] =	vst v6;
	v3 =	vld [tilespmem:s31+$0xCD]  }
0x13c: {  	v6 =	vld [tilespmem:s28+$0xCD]  }
0x13d: {  	v5 =	vld [tilespmem:s25+$0xCD];
	[tilespmem:s13+$0x60] =	vst v4  }
0x13e: {  	[tilespmem:s5+$0x60] =	vst v1;
	v1 =	vld [tilespmem:s0+$0xCD]  }
0x13f: {  	[tilespmem:s24+$0x70] =	vst v2;
	v2 =	vld [tilespmem:s1+$0xCD]  }
0x140: {  	[tilespmem:s30+$0x70] =	vst v3  }
0x141: {  	s19 =	sshll.u32 s21, $0xF;
	[tilespmem:s29+$0x70] =	vst v6  }
0x142: {  	[tilespmem:s23+$0x70] =	vst v5;
	s0 =	sadd.s32 s6, s19  }
0x143: {  	s0 =	sshrl.u32 s0, $0x3;
	[tilespmem:s13+$0x70] =	vst v1  }
0x144: {  	s21 =	sor.u32 $0x1, s21;
	s22 =	simm.s32 $0x0;
	s0 =	sadd.s32 s2, s0;
	[tilespmem:s5+$0x70] =	vst v2  }
0x145: {  	[hbm4b:s0+s3] =	stream.linear.scatter [tilespmem:s15], [sflag:$0x1], $0x8000, $0x38;
	[tilespmem:$0x12000] =	vst v63  }
0x146: {  	s23 =	smul.u32 $0xFFFFFFC1, s21;
	s0 =	sand.u32 $0x6, s22  }
0x147: {  	s24 =	sor.u32 $0x1, s0  }
0x148: {  	s25 =	simm.s32 $0x0;
	s26 =	sadd.s32 $0x7C0, s23;
	s8 =	smul.u32 $0x3F0, s24  }
0x149: {  	s1 =	ssub.s32 s26, s25;
	_ =	swait.ge [sflag:s18], $0x8000;
	s10 =	smul.u32 $0x3F0, s0  }
0x14a: {  	s1 =	sadd.s32 $0x1000, s1;
	[sflag:s18] =	ssyncset.done $0x0;
	s8 =	sshrl.u32 s8, $0x2  }
0x14b: {  	[sflag:s18] =	ssyncadd.s32 $0xFFFF8000;
	s10 =	sshrl.u32 s10, $0x2;
	s22 =	sadd.s32 s8, s1  }
0x14c: {  	s25 =	sadd.s32 s10, s1;
	s10 =	simm.s32 $0x0;
	v1 =	vld [tilespmem:s22+$0x0]  }
0x14d: {  	v2 =	vld [tilespmem:s25+$0x0];
	s1 =	sand.u32 $0x6000, s10  }
0x14e: {  	s11 =	simm.s32 $0x0;
	s5 =	sshll.u32 s24, $0xA;
	s1 =	sadd.s32 $0xA000, s1  }
0x14f: {  	s0 =	sshll.u32 s0, $0xA;
	s8 =	sand.u32 $0x380, s11;
	s5 =	sor.u32 s5, s1  }
0x150: {  	s0 =	sor.u32 s0, s1;
	s24 =	sor.u32 s8, s5  }
0x151: {  	s23 =	sor.u32 s8, s0;
	[tilespmem:s24+$0x0] =	vst v1  }
0x152: {  	[tilespmem:s23+$0x0] =	vst v2;
	v1 =	vld [tilespmem:s22+$0x10]  }
0x153: {  	v2 =	vld [tilespmem:s25+$0x10];
	_ =	sdelay $0x1  }
0x154: {  	s12 =	simm.s32 $0x2  }
0x155: {  	s0 =	sand.u32 $0x6, s12  }
0x156: {  	s1 =	sor.u32 $0x1, s0;
	[tilespmem:s24+$0x10] =	vst v1  }
0x157: {  	s13 =	simm.s32 $0x0;
	s14 =	smul.u32 $0x3F0, s1;
	[tilespmem:s23+$0x10] =	vst v2;
	v1 =	vld [tilespmem:s22+$0x3F]  }
0x158: {  	s5 =	ssub.s32 s26, s13;
	s19 =	smul.u32 $0x3F0, s0;
	v2 =	vld [tilespmem:s25+$0x3F]  }
0x159: {  	s5 =	sadd.s32 $0x1000, s5;
	s8 =	sshrl.u32 s14, $0x2  }
0x15a: {  	s10 =	sshrl.u32 s19, $0x2;
	s31 =	sadd.s32 s8, s5  }
0x15b: {  	s11 =	simm.s32 $0x100;
	s28 =	sadd.s32 s10, s5;
	v3 =	vld [tilespmem:s31+$0x0]  }
0x15c: {  	v4 =	vld [tilespmem:s28+$0x0];
	s5 =	sand.u32 $0x6000, s11;
	[tilespmem:s24+$0x20] =	vst v1  }
0x15d: {  	s12 =	simm.s32 $0x20;
	s1 =	sshll.u32 s1, $0xA;
	s5 =	sadd.s32 $0xA000, s5;
	[tilespmem:s23+$0x20] =	vst v2;
	v1 =	vld [tilespmem:s22+$0x4F]  }
0x15e: {  	s0 =	sshll.u32 s0, $0xA;
	s8 =	sand.u32 $0x380, s12;
	s1 =	sor.u32 s1, s5;
	v2 =	vld [tilespmem:s25+$0x4F]  }
0x15f: {  	s0 =	sor.u32 s0, s5;
	s30 =	sor.u32 s8, s1  }
0x160: {  	s29 =	sor.u32 s8, s0;
	[tilespmem:s30+$0x0] =	vst v3  }
0x161: {  	[tilespmem:s29+$0x0] =	vst v4;
	v3 =	vld [tilespmem:s31+$0x10]  }
0x162: {  	v4 =	vld [tilespmem:s28+$0x10];
	[tilespmem:s24+$0x30] =	vst v1  }
0x163: {  	[tilespmem:s23+$0x30] =	vst v2;
	v1 =	vld [tilespmem:s22+$0x7E]  }
0x164: {  	s12 =	simm.s32 $0x4;
	v2 =	vld [tilespmem:s25+$0x7E]  }
0x165: {  	s5 =	sand.u32 $0x6, s12  }
0x166: {  	s8 =	sor.u32 $0x1, s5;
	[tilespmem:s30+$0x10] =	vst v3  }
0x167: {  	s13 =	simm.s32 $0x0;
	s14 =	smul.u32 $0x3F0, s8;
	[tilespmem:s29+$0x10] =	vst v4;
	v3 =	vld [tilespmem:s31+$0x3F]  }
0x168: {  	s19 =	smul.u32 $0x3F0, s5;
	s0 =	ssub.s32 s26, s13;
	v4 =	vld [tilespmem:s28+$0x3F];
	[tilespmem:s24+$0x40] =	vst v1  }
0x169: {  	s11 =	sadd.s32 $0x1000, s0;
	s1 =	sshrl.u32 s14, $0x2;
	[tilespmem:s23+$0x40] =	vst v2;
	v1 =	vld [tilespmem:s22+$0x8E]  }
0x16a: {  	s13 =	sshrl.u32 s19, $0x2;
	s0 =	sadd.s32 s1, s11;
	v2 =	vld [tilespmem:s25+$0x8E]  }
0x16b: {  	s14 =	simm.s32 $0x200;
	s1 =	sadd.s32 s13, s11;
	v5 =	vld [tilespmem:s0+$0x0]  }
0x16c: {  	s10 =	sand.u32 $0x6000, s14;
	v6 =	vld [tilespmem:s1+$0x0];
	[tilespmem:s30+$0x20] =	vst v3  }
0x16d: {  	s8 =	sshll.u32 s8, $0xA;
	s19 =	simm.s32 $0x40;
	s10 =	sadd.s32 $0xA000, s10;
	[tilespmem:s29+$0x20] =	vst v4;
	v3 =	vld [tilespmem:s31+$0x4F]  }
0x16e: {  	s5 =	sshll.u32 s5, $0xA;
	s11 =	sand.u32 $0x380, s19;
	s8 =	sor.u32 s8, s10;
	v7 =	vld [tilespmem:s28+$0x4F];
	[tilespmem:s24+$0x50] =	vst v1  }
0x16f: {  	s5 =	sor.u32 s5, s10;
	s13 =	sor.u32 s11, s8;
	[tilespmem:s23+$0x50] =	vst v2;
	v1 =	vld [tilespmem:s22+$0xBD]  }
0x170: {  	s5 =	sor.u32 s11, s5;
	[tilespmem:s13+$0x0] =	vst v5;
	v2 =	vld [tilespmem:s25+$0xBD]  }
0x171: {  	[tilespmem:s5+$0x0] =	vst v6;
	v5 =	vld [tilespmem:s0+$0x10]  }
0x172: {  	v4 =	vld [tilespmem:s1+$0x10];
	[tilespmem:s30+$0x30] =	vst v3  }
0x173: {  	[tilespmem:s29+$0x30] =	vst v7;
	v3 =	vld [tilespmem:s31+$0x7E]  }
.LBB2_11:
0x174: {  	s12 =	sadd.s32 $0x2, s12;
	v6 =	vld [tilespmem:s28+$0x7E];
	[tilespmem:s24+$0x60] =	vst v1  }
0x175: {  	s8 =	sand.u32 $0x6, s12;
	p0 =	slt.u32 s12, $0xFE;
	[tilespmem:s23+$0x60] =	vst v2;
	v1 =	vld [tilespmem:s22+$0xCD];
	s22 =	smov.u32 s31  }
0x176: {  	s10 =	smul.u32 $0x3F0, s8;
	s11 =	sshll.u32 s8, $0xA;
	s8 =	sor.u32 $0x1, s8;
	[tilespmem:s13+$0x10] =	vst v5;
	v2 =	vld [tilespmem:s25+$0xCD]  }
0x177: {  	s14 =	sshrl.u32 s12, $0x3;
	s25 =	smov.u32 s28;
	s19 =	smul.u32 $0x3F0, s8;
	[tilespmem:s5+$0x10] =	vst v4;
	v4 =	vld [tilespmem:s0+$0x3F]  }
0x178: {  	s14 =	ssub.s32 s26, s14;
	s28 =	smov.u32 s1;
	s10 =	sshrl.u32 s10, $0x2;
	v5 =	vld [tilespmem:s1+$0x3F];
	[tilespmem:s30+$0x40] =	vst v3  }
0x179: {  	s31 =	smov.u32 s0;
	s14 =	sadd.s32 $0x1000, s14;
	s19 =	sshrl.u32 s19, $0x2;
	[tilespmem:s29+$0x40] =	vst v6;
	v3 =	vld [tilespmem:s22+$0x8E]  }
0x17a: {  	s1 =	sadd.s32 s10, s14;
	s0 =	sadd.s32 s19, s14;
	v6 =	vld [tilespmem:s25+$0x8E];
	[tilespmem:s24+$0x70] =	vst v1;
	s24 =	smov.u32 s30  }
0x17b: {  	s10 =	sshll.u32 s12, $0x7;
	v7 =	vld [tilespmem:s0+$0x0];
	[tilespmem:s23+$0x70] =	vst v2;
	s23 =	smov.u32 s29;
	s29 =	smov.u32 s5  }
0x17c: {  	s30 =	smov.u32 s13;
	s5 =	sand.u32 $0x6000, s10;
	v8 =	vld [tilespmem:s1+$0x0];
	[tilespmem:s13+$0x20] =	vst v4  }
0x17d: {  	s8 =	sshll.u32 s8, $0xA;
	s10 =	sshll.u32 s12, $0x4;
	s5 =	sadd.s32 $0xA000, s5;
	[tilespmem:s29+$0x20] =	vst v5;
	v9 =	vld [tilespmem:s31+$0x4F]  }
0x17e: {  	s10 =	sand.u32 $0x380, s10;
	s11 =	sor.u32 s11, s5;
	s8 =	sor.u32 s8, s5;
	v10 =	vld [tilespmem:s28+$0x4F];
	[tilespmem:s24+$0x50] =	vst v3  }
.Ltmp4:
0x17f: {  	s5 =	sor.u32 s10, s11;
	s13 =	sor.u32 s10, s8;
	[tilespmem:s23+$0x50] =	vst v6;
	v1 =	vld [tilespmem:s22+$0xBD];
	(pc) =	sbr.rel @p0 .LBB2_11-.Ltmp4, $4  }
0x180: {  	[tilespmem:s13+$0x0] =	vst v7;
	v2 =	vld [tilespmem:s25+$0xBD]  }
0x181: {  	[tilespmem:s5+$0x0] =	vst v8;
	v5 =	vld [tilespmem:s0+$0x10]  }
0x182: {  	v4 =	vld [tilespmem:s1+$0x10];
	[tilespmem:s30+$0x30] =	vst v9  }
0x183: {  	[tilespmem:s29+$0x30] =	vst v10;
	v3 =	vld [tilespmem:s31+$0x7E]  }
0x184: {  	_ =	sdelay $0x1  }
0x185: {  	[tilespmem:s13+$0x10] =	vst v5  }
0x186: {  	[tilespmem:s5+$0x10] =	vst v4;
	v61 =	vld [tilespmem:s0+$0x3F]  }
0x187: {  	v62 =	vld [tilespmem:s1+$0x3F];
	_ =	sdelay $0x3  }
0x188: {  	[tilespmem:s13+$0x20] =	vst v61  }
0x189: {  	[tilespmem:s5+$0x20] =	vst v62;
	v4 =	vld [tilespmem:s0+$0x4F]  }
0x18a: {  	v5 =	vld [tilespmem:s1+$0x4F];
	_ =	sdelay $0x3  }
0x18b: {  	v6 =	vld [tilespmem:s28+$0x7E];
	[tilespmem:s13+$0x30] =	vst v4  }
0x18c: {  	[tilespmem:s5+$0x30] =	vst v5;
	v4 =	vld [tilespmem:s0+$0x7E]  }
0x18d: {  	v5 =	vld [tilespmem:s1+$0x7E];
	_ =	sdelay $0x1  }
0x18e: {  	[tilespmem:s30+$0x40] =	vst v3  }
0x18f: {  	[tilespmem:s29+$0x40] =	vst v6;
	v3 =	vld [tilespmem:s31+$0x8E]  }
0x190: {  	v6 =	vld [tilespmem:s28+$0x8E];
	[tilespmem:s13+$0x40] =	vst v4  }
0x191: {  	[tilespmem:s5+$0x40] =	vst v5;
	v4 =	vld [tilespmem:s0+$0x8E]  }
0x192: {  	v5 =	vld [tilespmem:s1+$0x8E];
	_ =	sdelay $0x1  }
0x193: {  	[tilespmem:s30+$0x50] =	vst v3  }
0x194: {  	[tilespmem:s29+$0x50] =	vst v6;
	v3 =	vld [tilespmem:s31+$0xBD]  }
0x195: {  	v6 =	vld [tilespmem:s28+$0xBD];
	[tilespmem:s13+$0x50] =	vst v4  }
0x196: {  	[tilespmem:s5+$0x50] =	vst v5;
	v4 =	vld [tilespmem:s0+$0xBD]  }
0x197: {  	[tilespmem:s24+$0x60] =	vst v1;
	v1 =	vld [tilespmem:s1+$0xBD]  }
0x198: {  	[tilespmem:s23+$0x60] =	vst v2;
	v2 =	vld [tilespmem:s22+$0xCD]  }
0x199: {  	v63 =	vld [tilespmem:s25+$0xCD];
	[tilespmem:s30+$0x60] =	vst v3  }
0x19a: {  	[tilespmem:s29+$0x60] =	vst v6;
	v3 =	vld [tilespmem:s31+$0xCD]  }
0x19b: {  	v6 =	vld [tilespmem:s28+$0xCD];
	[tilespmem:s13+$0x60] =	vst v4  }
0x19c: {  	[tilespmem:s5+$0x60] =	vst v1;
	v1 =	vld [tilespmem:s0+$0xCD]  }
0x19d: {  	s20 =	sadd.s32 $0x1, s20;
	[tilespmem:s24+$0x70] =	vst v2;
	v2 =	vld [tilespmem:s1+$0xCD]  }
0x19e: {  	p0 =	sne.s32 s20, $0x8;
	[tilespmem:s23+$0x70] =	vst v63  }
.Ltmp5:
0x19f: {  	s31 =	sshll.u32 s21, $0xF;
	[tilespmem:s30+$0x70] =	vst v3;
	(pc) =	sbr.rel @p0 .LBB2_8-.Ltmp5, $4  }
0x1a0: {  	[tilespmem:s29+$0x70] =	vst v6;
	s0 =	sadd.s32 s6, s31  }
0x1a1: {  	s0 =	sshrl.u32 s0, $0x3;
	[tilespmem:s13+$0x70] =	vst v1  }
0x1a2: {  	s0 =	sadd.s32 s2, s0;
	[tilespmem:s5+$0x70] =	vst v2  }
0x1a3: {  	[hbm4b:s0+s3] =	stream.linear.scatter [tilespmem:s16], [sflag:$0x2], $0x8000, $0x38;
	[tilespmem:$0x12000] =	vst v63  }
0x1a4: {  	_ =	swait.ge [sflag:s17], $0x8000  }
0x1a5: {  	[sflag:s17] =	ssyncset.done $0x0  }
0x1a6: {  	[sflag:s17] =	ssyncadd.s32 $0xFFFF8000  }
0x1a7: {  	_ =	swait.ge [sflag:s18], $0x8000  }
0x1a8: {  	s1 =	rddreg [dreg:$0x7]  }
0x1a9: {  	s0 =	rddreg [dreg:$0x6];
	s1 =	sadd.s32 $0x1, s1  }
0x1aa: {  	p0 =	sne.s32 s1, s0  }
.Ltmp6:
0x1ab: {  	_ = 	snop;
	(pc) =	sbr.rel @p0 .LBB2_1-.Ltmp6, $3  }
0x1ac: {  	_ =	sdelay $0x1  }
0x1ad: {  	[sflag:s18] =	ssyncset.done $0x0  }
0x1ae: {  	[sflag:s18] =	ssyncadd.s32 $0xFFFF8000  }
0x1af: {  	_ =	sfence.sel $0x180000  }
0x1b0: {  	[bflag:$0x0] =	sbarrier.arrive $0xFFFF  }
0x1b1: {  	_ =	strace $0x90000047  }
0x1b2: {  	s0 =	stileid.u32;
	[bflag:$0x2] =	sbarrier.arrive $0xFFFF  }
0x1b3: {  	p0 =	sne.s32 s0, $0x0;
	s0 =	rddreg [dreg:$0x2]  }
0x1b4: {  	s0 =	sadd.s32 @!p0 $0x100000, s0  }
0x1b5: {  	[sflag:s0] =	ssyncadd.tile.s32 @!p0 $0x1;
	_ =	shalt  }
.Lfunc_end2:
_tile_overlayer_lowered:
.L_overlay_start_2:
0x1b6: {  	(tag) =	ssettag $0x2  }
0x1b7: {  	s0 =	rddreg [dreg:$0x0];
	s2 =	stileid.u32  }
0x1b8: {  	s1 =	rddreg [dreg:$0x1];
	p0 =	sne.s32 s2, $0x0  }
0x1b9: {  	s3 =	rddreg [dreg:$0x2];
	[bflag:$0x3] =	sbarrier.arrive $0xFFFF;
	s2 =	simm.s32 @!p0 $0x1C03  }
0x1ba: {  	[timem:s3], [sflag:s2] =	dma.local @!p0 [hbm:s0], s1  }
0x1bb: {  	s0 =	simm.s32 @!p0 $0x3  }
0x1bc: {  	_ =	swait.ge @!p0 [sflag:s0], s1  }
0x1bd: {  	s1 =	ssub.s32 @!p0 $0x0, s1;
	[sflag:s0] =	ssyncset.done @!p0 $0x0  }
0x1be: {  	[sflag:s0] =	ssyncadd.s32 @!p0 s1  }
0x1bf: {  	[bflag:$0x3] =	sbarrier.arrive $0xFFFF  }
0x1c0: {  	_ =	shalt  }

</sc_bundles>
